<compile_context>
chip_gen: v7x
topology: tpu7x:2x2x1
jax: 0.10.2.dev20260603
libtpu: 0.0.44.dev20260713+nightly
codegen_flags: <defaults>
</compile_context>

<pallas_src>
import jax
import jax.numpy as jnp
from jax import lax
from jax.experimental import pallas as pl
from jax.experimental.pallas import tpu as pltpu
from jax.experimental.pallas import tpu_sc as plsc

VOCAB_ROWS = 1001
D = 64
BATCH = 4096
HIST = 200
NC, NS = 2, 16
NW = NC * NS
N_WT = 8
N_WB = 4
T_PER_W = HIST // N_WT
N_TT = HIST // 8
TT_PER_W = 4
N_U = T_PER_W * 8


def _emb_body(table_hbm, tok_hbm, out_hbm, table_v, tok_v, buf0, buf1,
              osem0, osem1):
    wid = lax.axis_index("s") * NC + lax.axis_index("c")
    wt = wid // N_WB
    wb = wid % N_WB
    t0 = wt * T_PER_W
    tt0 = t0 // 8

    pltpu.sync_copy(table_hbm, table_v)
    pltpu.sync_copy(
        tok_hbm.at[pl.ds(tt0, TT_PER_W), pl.ds(wb * 8, 8)], tok_v)

    bufs = (buf0, buf1)
    osems = (osem0, osem1)

    def compute(tl, dt, buf):
        t = t0 + tl
        ttl = t // 8 - tt0
        ti = t % 8
        dbase = dt * 8
        dvecs = [jnp.full((16,), (dbase + di) * VOCAB_ROWS, jnp.int32)
                 for di in range(8)]

        @plsc.parallel_loop(0, 64, unroll=8)
        def _(g):
            tokv = tok_v[ttl, g // 8, ti, pl.ds((g % 8) * 16, 16)]
            for di in range(8):
                v = plsc.load_gather(table_v, [tokv + dvecs[di]])
                buf[g // 8, di, pl.ds((g % 8) * 16, 16)] = v

    def dst(u):
        return out_hbm.at[t0 + u // 8, u % 8, pl.ds(wb * 8, 8)]

    def body(u2, carry):
        for p in range(2):
            u = u2 * 2 + p

            @pl.when(u2 > 0)
            def _():
                pltpu.make_async_copy(bufs[p], dst(u), osems[p]).wait()

            compute(u // 8, u % 8, bufs[p])
            pltpu.async_copy(bufs[p], dst(u), osems[p])
        return carry

    lax.fori_loop(0, N_U // 2, body, 0)
    pltpu.make_async_copy(bufs[0], dst(N_U - 2), osems[0]).wait()
    pltpu.make_async_copy(bufs[1], dst(N_U - 1), osems[1]).wait()


def kernel(table, tokens):
    table_flat = table.T.reshape(D * VOCAB_ROWS)
    tok_native = (tokens.T.reshape(N_TT, 8, NW, 128)
                  .transpose(0, 2, 1, 3))
    mesh = plsc.VectorSubcoreMesh(core_axis_name="c", subcore_axis_name="s")
    out5 = pl.kernel(
        _emb_body,
        mesh=mesh,
        compiler_params=pltpu.CompilerParams(use_tc_tiling_on_sc=False,
                                             needs_layout_passes=False),
        out_type=jax.ShapeDtypeStruct((HIST, 8, NW, 8, 128), jnp.float32),
        scratch_types=[
            pltpu.VMEM((D * VOCAB_ROWS,), jnp.float32),
            pltpu.VMEM((TT_PER_W, 8, 8, 128), jnp.int32),
            pltpu.VMEM((8, 8, 128), jnp.float32),
            pltpu.VMEM((8, 8, 128), jnp.float32),
            pltpu.SemaphoreType.DMA,
            pltpu.SemaphoreType.DMA,
        ],
    )(table_flat, tok_native)
    return out5.transpose(2, 4, 0, 1, 3).reshape(BATCH, HIST, D)

# --- scband reference (transcript-rebuilt; emitter-appended) ---
"""Pipeline reference for scband-embedding-with-vocab-1494648619015 (READ-ONLY COPY).

The authoritative reference and input builder live on the scoring server;
editing this copy changes nothing except your own understanding.
"""

import jax, jax.numpy as jnp
import numpy as np

VOCAB = 1000            # vocab = list(range(1000))
TABLE_ROWS = VOCAB + 1  # +1 for the auto-added 'NA' entry
EMBED_DIM = 64
BATCH = 4096
HIST = 200

def setup_inputs(seed: int = 0) -> dict:
    key = jax.random.key(seed)
    k_tok, k_tab = jax.random.split(key)
    tokens = jax.random.randint(k_tok, (BATCH, HIST), 0, VOCAB, dtype=jnp.int32)
    table = jax.random.normal(k_tab, (TABLE_ROWS, EMBED_DIM), dtype=jnp.float32) * 0.02
    return {"table": table, "tokens": tokens}

def reference(table, tokens):
    # Original module maps tokens -> indices via its stored vocab dict.
    # With vocab = list(range(VOCAB)), token i maps to index i (identity),
    # so the forward reduces to a plain embedding gather: table[indices].
    return jnp.take(table, tokens, axis=0)

if __name__ == "__main__":
    import jax
    _d = setup_inputs()
    print(jax.jit(kernel)(*tuple(_d.values())))

</pallas_src>

<mosaic_0001>
#map = affine_map<(d0, d1) -> (0)>
#map1 = affine_map<(d0, d1) -> (0, 0, 0, 0)>
#map2 = affine_map<(d0, d1) -> (0, 0, 0, 0, 0)>
module attributes {stable_mosaic.version = 14 : i64} {
  func.func @_emb_body(%arg0: i32, %arg1: i32, %arg2: memref<64064xf32, #tpu.memory_space<hbm>>, %arg3: memref<25x32x8x128xi32, #tpu.memory_space<hbm>>, %arg4: memref<200x8x32x8x128xf32, #tpu.memory_space<hbm>>, %arg5: memref<64064xf32, #tpu.memory_space<vmem>>, %arg6: memref<4x8x8x128xi32, #tpu.memory_space<vmem>>, %arg7: memref<8x8x128xf32, #tpu.memory_space<vmem>>, %arg8: memref<8x8x128xf32, #tpu.memory_space<vmem>>, %arg9: memref<!tpu.dma_semaphore, #tpu.memory_space<semaphore_mem>>, %arg10: memref<!tpu.dma_semaphore, #tpu.memory_space<semaphore_mem>>) attributes {dimension_semantics = [#tpu.dimension_semantics<core_parallel>, #tpu.dimension_semantics<subcore_parallel>], iteration_bounds = array<i64: 2, 16>, scalar_prefetch = 0 : i64, scratch_operands = 6 : i64, tpu.core_type = #tpu.core_type<sc_vector_subcore>, window_params = [{transform_indices = #map}, {transform_indices = #map1}, {transform_indices = #map2}]} {
    %mul3A = arith.constant 2 : i32
    %mul3A_0 = arith.muli %arg1, %mul3A : i32
    %add3A = arith.addi %mul3A_0, %arg0 : i32
    %jit3A = arith.constant 4 : i32
    %div3A = arith.divsi %add3A, %jit3A : i32
    %sign3A = arith.constant 0 : i32
    %sign3A_1 = arith.cmpi sgt, %add3A, %sign3A : i32
    %sign3A_2 = arith.extui %sign3A_1 : i1 to i32
    %sign3A_3 = arith.constant 0 : i32
    %sign3A_4 = arith.cmpi slt, %add3A, %sign3A_3 : i32
    %sign3A_5 = arith.extui %sign3A_4 : i1 to i32
    %sign3A_6 = arith.subi %sign3A_2, %sign3A_5 : i32
    %sign3A_7 = arith.constant 0 : i32
    %sign3A_8 = arith.cmpi sgt, %jit3A, %sign3A_7 : i32
    %sign3A_9 = arith.extui %sign3A_8 : i1 to i32
    %sign3A_10 = arith.constant 0 : i32
    %sign3A_11 = arith.cmpi slt, %jit3A, %sign3A_10 : i32
    %sign3A_12 = arith.extui %sign3A_11 : i1 to i32
    %sign3A_13 = arith.subi %sign3A_9, %sign3A_12 : i32
    %ne3A = arith.cmpi ne, %sign3A_6, %sign3A_13 : i32
    %rem3A = arith.remsi %add3A, %jit3A : i32
    %ne3A_14 = arith.constant 0 : i32
    %ne3A_15 = arith.cmpi ne, %rem3A, %ne3A_14 : i32
    %and3A = arith.andi %ne3A, %ne3A_15 : i1
    %sub3A = arith.constant 1 : i32
    %sub3A_16 = arith.subi %div3A, %sub3A : i32
    %select_n3A = arith.select %and3A, %sub3A_16, %div3A : i32
    %jit3A_17 = arith.constant 4 : i32
    %eq3A = arith.constant 0 : i32
    %eq3A_18 = arith.cmpi eq, %jit3A_17, %eq3A : i32
    %jit3A_19 = arith.constant 1 : i32
    %select_n3A_20 = arith.select %eq3A_18, %jit3A_19, %jit3A_17 : i32
    %rem3A_21 = arith.remsi %add3A, %select_n3A_20 : i32
    %ne3A_22 = arith.constant 0 : i32
    %ne3A_23 = arith.cmpi ne, %rem3A_21, %ne3A_22 : i32
    %lt3A = arith.constant 0 : i32
    %lt3A_24 = arith.cmpi slt, %rem3A_21, %lt3A : i32
    %lt3A_25 = arith.constant 0 : i32
    %lt3A_26 = arith.cmpi slt, %select_n3A_20, %lt3A_25 : i32
    %ne3A_27 = arith.xori %lt3A_24, %lt3A_26 : i1
    %and3A_28 = arith.andi %ne3A_27, %ne3A_23 : i1
    %add3A_29 = arith.addi %rem3A_21, %select_n3A_20 : i32
    %select_n3A_30 = arith.select %and3A_28, %add3A_29, %rem3A_21 : i32
    %mul3A_31 = arith.constant 25 : i32
    %mul3A_32 = arith.muli %select_n3A, %mul3A_31 : i32
    %jit3A_33 = arith.constant 8 : i32
    %div3A_34 = arith.divsi %mul3A_32, %jit3A_33 : i32
    %sign3A_35 = arith.constant 0 : i32
    %sign3A_36 = arith.cmpi sgt, %mul3A_32, %sign3A_35 : i32
    %sign3A_37 = arith.extui %sign3A_36 : i1 to i32
    %sign3A_38 = arith.constant 0 : i32
    %sign3A_39 = arith.cmpi slt, %mul3A_32, %sign3A_38 : i32
    %sign3A_40 = arith.extui %sign3A_39 : i1 to i32
    %sign3A_41 = arith.subi %sign3A_37, %sign3A_40 : i32
    %sign3A_42 = arith.constant 0 : i32
    %sign3A_43 = arith.cmpi sgt, %jit3A_33, %sign3A_42 : i32
    %sign3A_44 = arith.extui %sign3A_43 : i1 to i32
    %sign3A_45 = arith.constant 0 : i32
    %sign3A_46 = arith.cmpi slt, %jit3A_33, %sign3A_45 : i32
    %sign3A_47 = arith.extui %sign3A_46 : i1 to i32
    %sign3A_48 = arith.subi %sign3A_44, %sign3A_47 : i32
    %ne3A_49 = arith.cmpi ne, %sign3A_41, %sign3A_48 : i32
    %rem3A_50 = arith.remsi %mul3A_32, %jit3A_33 : i32
    %ne3A_51 = arith.constant 0 : i32
    %ne3A_52 = arith.cmpi ne, %rem3A_50, %ne3A_51 : i32
    %and3A_53 = arith.andi %ne3A_49, %ne3A_52 : i1
    %sub3A_54 = arith.constant 1 : i32
    %sub3A_55 = arith.subi %div3A_34, %sub3A_54 : i32
    %select_n3A_56 = arith.select %and3A_53, %sub3A_55, %div3A_34 : i32
    "tpu.region"() ({
      %run_scoped3A = tpu.sem_alloc : memref<!tpu.dma_semaphore, #tpu.memory_space<semaphore_mem>>
      tpu.enqueue_dma source(%arg2 : memref<64064xf32, #tpu.memory_space<hbm>>) target(%arg5 : memref<64064xf32, #tpu.memory_space<vmem>>) target_semaphore(%run_scoped3A : memref<!tpu.dma_semaphore, #tpu.memory_space<semaphore_mem>>)
      tpu.wait_dma2 semaphore(%run_scoped3A : memref<!tpu.dma_semaphore, #tpu.memory_space<semaphore_mem>>) src(%arg2 : memref<64064xf32, #tpu.memory_space<hbm>>) dst(%arg5 : memref<64064xf32, #tpu.memory_space<vmem>>)
      tpu.yield
    }) : () -> ()
    %mul3A_57 = arith.constant 8 : i32
    %mul3A_58 = arith.muli %select_n3A_30, %mul3A_57 : i32
    "tpu.region"() ({
      %run_scoped3A = tpu.sem_alloc : memref<!tpu.dma_semaphore, #tpu.memory_space<semaphore_mem>>
      %dma_start3A = arith.constant 0 : i32
      %dma_start3A_89 = arith.constant 0 : i32
      %dma_start3A_90 = tpu.memref_slice %arg3[%select_n3A_56, %mul3A_58, %dma_start3A, %dma_start3A_89] : memref<25x32x8x128xi32, #tpu.memory_space<hbm>> -> memref<4x8x8x128xi32, #tpu.memory_space<hbm>>
      %dma_start3A_91 = arith.constant 0 : i32
      %dma_start3A_92 = arith.constant 0 : i32
      %dma_start3A_93 = tpu.memref_slice %arg3[%select_n3A_56, %mul3A_58, %dma_start3A_91, %dma_start3A_92] : memref<25x32x8x128xi32, #tpu.memory_space<hbm>> -> memref<4x8x8x128xi32, #tpu.memory_space<hbm>>
      tpu.enqueue_dma source(%dma_start3A_93 : memref<4x8x8x128xi32, #tpu.memory_space<hbm>>) target(%arg6 : memref<4x8x8x128xi32, #tpu.memory_space<vmem>>) target_semaphore(%run_scoped3A : memref<!tpu.dma_semaphore, #tpu.memory_space<semaphore_mem>>)
      %dma_wait3A_94 = arith.constant 0 : i32
      %dma_wait3A_95 = arith.constant 0 : i32
      %dma_wait3A_96 = tpu.memref_slice %arg3[%select_n3A_56, %mul3A_58, %dma_wait3A_94, %dma_wait3A_95] : memref<25x32x8x128xi32, #tpu.memory_space<hbm>> -> memref<4x8x8x128xi32, #tpu.memory_space<hbm>>
      %dma_wait3A_97 = arith.constant 0 : i32
      %dma_wait3A_98 = arith.constant 0 : i32
      %dma_wait3A_99 = tpu.memref_slice %arg3[%select_n3A_56, %mul3A_58, %dma_wait3A_97, %dma_wait3A_98] : memref<25x32x8x128xi32, #tpu.memory_space<hbm>> -> memref<4x8x8x128xi32, #tpu.memory_space<hbm>>
      tpu.wait_dma2 semaphore(%run_scoped3A : memref<!tpu.dma_semaphore, #tpu.memory_space<semaphore_mem>>) src(%dma_wait3A_99 : memref<4x8x8x128xi32, #tpu.memory_space<hbm>>) dst(%arg6 : memref<4x8x8x128xi32, #tpu.memory_space<vmem>>)
      tpu.yield
    }) : () -> ()
    %scan3A = arith.constant 0 : i32
    %scan3A_59 = arith.constant 0 : i32
    %scan3A_60 = arith.constant 100 : i32
    %scan3A_61 = arith.addi %scan3A_59, %scan3A_60 : i32
    %scan3A_62 = arith.constant 1 : i32
    scf.for %scan3A_89 = %scan3A_59 to %scan3A_61 step %scan3A_62  : i32 {
      %mul3A_90 = arith.constant 2 : i32
      %mul3A_91 = arith.muli %scan3A_89, %mul3A_90 : i32
      %add3A_92 = arith.constant 0 : i32
      %add3A_93 = arith.addi %mul3A_91, %add3A_92 : i32
      %gt3A = arith.constant 0 : i32
      %gt3A_94 = arith.cmpi sgt, %scan3A_89, %gt3A : i32
      %convert_element_type3A = arith.extui %gt3A_94 : i1 to i32
      %cond3A = arith.constant 0 : i32
      %cond3A_95 = arith.cmpi ne, %convert_element_type3A, %cond3A : i32
      scf.if %cond3A_95 {
        %jit3A_458 = arith.constant 8 : i32
        %div3A_459 = arith.divsi %add3A_93, %jit3A_458 : i32
        %sign3A_460 = arith.constant 0 : i32
        %sign3A_461 = arith.cmpi sgt, %add3A_93, %sign3A_460 : i32
        %sign3A_462 = arith.extui %sign3A_461 : i1 to i32
        %sign3A_463 = arith.constant 0 : i32
        %sign3A_464 = arith.cmpi slt, %add3A_93, %sign3A_463 : i32
        %sign3A_465 = arith.extui %sign3A_464 : i1 to i32
        %sign3A_466 = arith.subi %sign3A_462, %sign3A_465 : i32
        %sign3A_467 = arith.constant 0 : i32
        %sign3A_468 = arith.cmpi sgt, %jit3A_458, %sign3A_467 : i32
        %sign3A_469 = arith.extui %sign3A_468 : i1 to i32
        %sign3A_470 = arith.constant 0 : i32
        %sign3A_471 = arith.cmpi slt, %jit3A_458, %sign3A_470 : i32
        %sign3A_472 = arith.extui %sign3A_471 : i1 to i32
        %sign3A_473 = arith.subi %sign3A_469, %sign3A_472 : i32
        %ne3A_474 = arith.cmpi ne, %sign3A_466, %sign3A_473 : i32
        %rem3A_475 = arith.remsi %add3A_93, %jit3A_458 : i32
        %ne3A_476 = arith.constant 0 : i32
        %ne3A_477 = arith.cmpi ne, %rem3A_475, %ne3A_476 : i32
        %and3A_478 = arith.andi %ne3A_474, %ne3A_477 : i1
        %sub3A_479 = arith.constant 1 : i32
        %sub3A_480 = arith.subi %div3A_459, %sub3A_479 : i32
        %select_n3A_481 = arith.select %and3A_478, %sub3A_480, %div3A_459 : i32
        %add3A_482 = arith.addi %mul3A_32, %select_n3A_481 : i32
        %jit3A_483 = arith.constant 8 : i32
        %eq3A_484 = arith.constant 0 : i32
        %eq3A_485 = arith.cmpi eq, %jit3A_483, %eq3A_484 : i32
        %jit3A_486 = arith.constant 1 : i32
        %select_n3A_487 = arith.select %eq3A_485, %jit3A_486, %jit3A_483 : i32
        %rem3A_488 = arith.remsi %add3A_93, %select_n3A_487 : i32
        %ne3A_489 = arith.constant 0 : i32
        %ne3A_490 = arith.cmpi ne, %rem3A_488, %ne3A_489 : i32
        %lt3A_491 = arith.constant 0 : i32
        %lt3A_492 = arith.cmpi slt, %rem3A_488, %lt3A_491 : i32
        %lt3A_493 = arith.constant 0 : i32
        %lt3A_494 = arith.cmpi slt, %select_n3A_487, %lt3A_493 : i32
        %ne3A_495 = arith.xori %lt3A_492, %lt3A_494 : i1
        %and3A_496 = arith.andi %ne3A_495, %ne3A_490 : i1
        %add3A_497 = arith.addi %rem3A_488, %select_n3A_487 : i32
        %select_n3A_498 = arith.select %and3A_496, %add3A_497, %rem3A_488 : i32
        %mul3A_499 = arith.constant 8 : i32
        %mul3A_500 = arith.muli %select_n3A_30, %mul3A_499 : i32
        %dma_wait3A_501 = arith.constant 0 : i32
        %dma_wait3A_502 = arith.constant 0 : i32
        %dma_wait3A_503 = tpu.memref_slice %arg4[%add3A_482, %select_n3A_498, %mul3A_500, %dma_wait3A_501, %dma_wait3A_502] : memref<200x8x32x8x128xf32, #tpu.memory_space<hbm>> -> memref<1x1x8x8x128xf32, #tpu.memory_space<hbm>>
        %dma_wait3A_504 = tpu.memref_squeeze %dma_wait3A_503 : memref<1x1x8x8x128xf32, #tpu.memory_space<hbm>> -> memref<8x8x128xf32, #tpu.memory_space<hbm>>
        %dma_wait3A_505 = arith.constant 0 : i32
        %dma_wait3A_506 = arith.constant 0 : i32
        %dma_wait3A_507 = tpu.memref_slice %arg4[%add3A_482, %select_n3A_498, %mul3A_500, %dma_wait3A_505, %dma_wait3A_506] : memref<200x8x32x8x128xf32, #tpu.memory_space<hbm>> -> memref<1x1x8x8x128xf32, #tpu.memory_space<hbm>>
        %dma_wait3A_508 = tpu.memref_squeeze %dma_wait3A_507 : memref<1x1x8x8x128xf32, #tpu.memory_space<hbm>> -> memref<8x8x128xf32, #tpu.memory_space<hbm>>
        tpu.wait_dma2 semaphore(%arg9 : memref<!tpu.dma_semaphore, #tpu.memory_space<semaphore_mem>>) src(%arg7 : memref<8x8x128xf32, #tpu.memory_space<vmem>>) dst(%dma_wait3A_508 : memref<8x8x128xf32, #tpu.memory_space<hbm>>)
      } else {
      }
      %jit3A_96 = arith.constant 8 : i32
      %div3A_97 = arith.divsi %add3A_93, %jit3A_96 : i32
      %sign3A_98 = arith.constant 0 : i32
      %sign3A_99 = arith.cmpi sgt, %add3A_93, %sign3A_98 : i32
      %sign3A_100 = arith.extui %sign3A_99 : i1 to i32
      %sign3A_101 = arith.constant 0 : i32
      %sign3A_102 = arith.cmpi slt, %add3A_93, %sign3A_101 : i32
      %sign3A_103 = arith.extui %sign3A_102 : i1 to i32
      %sign3A_104 = arith.subi %sign3A_100, %sign3A_103 : i32
      %sign3A_105 = arith.constant 0 : i32
      %sign3A_106 = arith.cmpi sgt, %jit3A_96, %sign3A_105 : i32
      %sign3A_107 = arith.extui %sign3A_106 : i1 to i32
      %sign3A_108 = arith.constant 0 : i32
      %sign3A_109 = arith.cmpi slt, %jit3A_96, %sign3A_108 : i32
      %sign3A_110 = arith.extui %sign3A_109 : i1 to i32
      %sign3A_111 = arith.subi %sign3A_107, %sign3A_110 : i32
      %ne3A_112 = arith.cmpi ne, %sign3A_104, %sign3A_111 : i32
      %rem3A_113 = arith.remsi %add3A_93, %jit3A_96 : i32
      %ne3A_114 = arith.constant 0 : i32
      %ne3A_115 = arith.cmpi ne, %rem3A_113, %ne3A_114 : i32
      %and3A_116 = arith.andi %ne3A_112, %ne3A_115 : i1
      %sub3A_117 = arith.constant 1 : i32
      %sub3A_118 = arith.subi %div3A_97, %sub3A_117 : i32
      %select_n3A_119 = arith.select %and3A_116, %sub3A_118, %div3A_97 : i32
      %jit3A_120 = arith.constant 8 : i32
      %eq3A_121 = arith.constant 0 : i32
      %eq3A_122 = arith.cmpi eq, %jit3A_120, %eq3A_121 : i32
      %jit3A_123 = arith.constant 1 : i32
      %select_n3A_124 = arith.select %eq3A_122, %jit3A_123, %jit3A_120 : i32
      %rem3A_125 = arith.remsi %add3A_93, %select_n3A_124 : i32
      %ne3A_126 = arith.constant 0 : i32
      %ne3A_127 = arith.cmpi ne, %rem3A_125, %ne3A_126 : i32
      %lt3A_128 = arith.constant 0 : i32
      %lt3A_129 = arith.cmpi slt, %rem3A_125, %lt3A_128 : i32
      %lt3A_130 = arith.constant 0 : i32
      %lt3A_131 = arith.cmpi slt, %select_n3A_124, %lt3A_130 : i32
      %ne3A_132 = arith.xori %lt3A_129, %lt3A_131 : i1
      %and3A_133 = arith.andi %ne3A_132, %ne3A_127 : i1
      %add3A_134 = arith.addi %rem3A_125, %select_n3A_124 : i32
      %select_n3A_135 = arith.select %and3A_133, %add3A_134, %rem3A_125 : i32
      %add3A_136 = arith.addi %mul3A_32, %select_n3A_119 : i32
      %jit3A_137 = arith.constant 8 : i32
      %div3A_138 = arith.divsi %add3A_136, %jit3A_137 : i32
      %sign3A_139 = arith.constant 0 : i32
      %sign3A_140 = arith.cmpi sgt, %add3A_136, %sign3A_139 : i32
      %sign3A_141 = arith.extui %sign3A_140 : i1 to i32
      %sign3A_142 = arith.constant 0 : i32
      %sign3A_143 = arith.cmpi slt, %add3A_136, %sign3A_142 : i32
      %sign3A_144 = arith.extui %sign3A_143 : i1 to i32
      %sign3A_145 = arith.subi %sign3A_141, %sign3A_144 : i32
      %sign3A_146 = arith.constant 0 : i32
      %sign3A_147 = arith.cmpi sgt, %jit3A_137, %sign3A_146 : i32
      %sign3A_148 = arith.extui %sign3A_147 : i1 to i32
      %sign3A_149 = arith.constant 0 : i32
      %sign3A_150 = arith.cmpi slt, %jit3A_137, %sign3A_149 : i32
      %sign3A_151 = arith.extui %sign3A_150 : i1 to i32
      %sign3A_152 = arith.subi %sign3A_148, %sign3A_151 : i32
      %ne3A_153 = arith.cmpi ne, %sign3A_145, %sign3A_152 : i32
      %rem3A_154 = arith.remsi %add3A_136, %jit3A_137 : i32
      %ne3A_155 = arith.constant 0 : i32
      %ne3A_156 = arith.cmpi ne, %rem3A_154, %ne3A_155 : i32
      %and3A_157 = arith.andi %ne3A_153, %ne3A_156 : i1
      %sub3A_158 = arith.constant 1 : i32
      %sub3A_159 = arith.subi %div3A_138, %sub3A_158 : i32
      %select_n3A_160 = arith.select %and3A_157, %sub3A_159, %div3A_138 : i32
      %sub3A_161 = arith.subi %select_n3A_160, %select_n3A_56 : i32
      %jit3A_162 = arith.constant 8 : i32
      %eq3A_163 = arith.constant 0 : i32
      %eq3A_164 = arith.cmpi eq, %jit3A_162, %eq3A_163 : i32
      %jit3A_165 = arith.constant 1 : i32
      %select_n3A_166 = arith.select %eq3A_164, %jit3A_165, %jit3A_162 : i32
      %rem3A_167 = arith.remsi %add3A_136, %select_n3A_166 : i32
      %ne3A_168 = arith.constant 0 : i32
      %ne3A_169 = arith.cmpi ne, %rem3A_167, %ne3A_168 : i32
      %lt3A_170 = arith.constant 0 : i32
      %lt3A_171 = arith.cmpi slt, %rem3A_167, %lt3A_170 : i32
      %lt3A_172 = arith.constant 0 : i32
      %lt3A_173 = arith.cmpi slt, %select_n3A_166, %lt3A_172 : i32
      %ne3A_174 = arith.xori %lt3A_171, %lt3A_173 : i1
      %and3A_175 = arith.andi %ne3A_174, %ne3A_169 : i1
      %add3A_176 = arith.addi %rem3A_167, %select_n3A_166 : i32
      %select_n3A_177 = arith.select %and3A_175, %add3A_176, %rem3A_167 : i32
      %mul3A_178 = arith.constant 8 : i32
      %mul3A_179 = arith.muli %select_n3A_135, %mul3A_178 : i32
      %add3A_180 = arith.constant 0 : i32
      %add3A_181 = arith.addi %mul3A_179, %add3A_180 : i32
      %mul3A_182 = arith.constant 1001 : i32
      %mul3A_183 = arith.muli %add3A_181, %mul3A_182 : i32
      %broadcast_in_dim3A = vector.broadcast %mul3A_183 : i32 to vector<16xi32>
      %add3A_184 = arith.constant 1 : i32
      %add3A_185 = arith.addi %mul3A_179, %add3A_184 : i32
      %mul3A_186 = arith.constant 1001 : i32
      %mul3A_187 = arith.muli %add3A_185, %mul3A_186 : i32
      %broadcast_in_dim3A_188 = vector.broadcast %mul3A_187 : i32 to vector<16xi32>
      %add3A_189 = arith.constant 2 : i32
      %add3A_190 = arith.addi %mul3A_179, %add3A_189 : i32
      %mul3A_191 = arith.constant 1001 : i32
      %mul3A_192 = arith.muli %add3A_190, %mul3A_191 : i32
      %broadcast_in_dim3A_193 = vector.broadcast %mul3A_192 : i32 to vector<16xi32>
      %add3A_194 = arith.constant 3 : i32
      %add3A_195 = arith.addi %mul3A_179, %add3A_194 : i32
      %mul3A_196 = arith.constant 1001 : i32
      %mul3A_197 = arith.muli %add3A_195, %mul3A_196 : i32
      %broadcast_in_dim3A_198 = vector.broadcast %mul3A_197 : i32 to vector<16xi32>
      %add3A_199 = arith.constant 4 : i32
      %add3A_200 = arith.addi %mul3A_179, %add3A_199 : i32
      %mul3A_201 = arith.constant 1001 : i32
      %mul3A_202 = arith.muli %add3A_200, %mul3A_201 : i32
      %broadcast_in_dim3A_203 = vector.broadcast %mul3A_202 : i32 to vector<16xi32>
      %add3A_204 = arith.constant 5 : i32
      %add3A_205 = arith.addi %mul3A_179, %add3A_204 : i32
      %mul3A_206 = arith.constant 1001 : i32
      %mul3A_207 = arith.muli %add3A_205, %mul3A_206 : i32
      %broadcast_in_dim3A_208 = vector.broadcast %mul3A_207 : i32 to vector<16xi32>
      %add3A_209 = arith.constant 6 : i32
      %add3A_210 = arith.addi %mul3A_179, %add3A_209 : i32
      %mul3A_211 = arith.constant 1001 : i32
      %mul3A_212 = arith.muli %add3A_210, %mul3A_211 : i32
      %broadcast_in_dim3A_213 = vector.broadcast %mul3A_212 : i32 to vector<16xi32>
      %add3A_214 = arith.constant 7 : i32
      %add3A_215 = arith.addi %mul3A_179, %add3A_214 : i32
      %mul3A_216 = arith.constant 1001 : i32
      %mul3A_217 = arith.muli %add3A_215, %mul3A_216 : i32
      %broadcast_in_dim3A_218 = vector.broadcast %mul3A_217 : i32 to vector<16xi32>
      %parallel_loop3A = arith.constant 0 : i32
      %parallel_loop3A_219 = arith.constant 64 : i32
      %parallel_loop3A_220 = arith.constant 1 : i32
      scf.for %parallel_loop3A_458 = %parallel_loop3A to %parallel_loop3A_219 step %parallel_loop3A_220  : i32 {
        %parallel_loop3A_459 = arith.constant 8 : i32
        %parallel_loop3A_460 = arith.divsi %parallel_loop3A_458, %parallel_loop3A_459 : i32
        %parallel_loop3A_461 = arith.constant 0 : i32
        %parallel_loop3A_462 = arith.cmpi sgt, %parallel_loop3A_458, %parallel_loop3A_461 : i32
        %parallel_loop3A_463 = arith.extui %parallel_loop3A_462 : i1 to i32
        %parallel_loop3A_464 = arith.constant 0 : i32
        %parallel_loop3A_465 = arith.cmpi slt, %parallel_loop3A_458, %parallel_loop3A_464 : i32
        %parallel_loop3A_466 = arith.extui %parallel_loop3A_465 : i1 to i32
        %parallel_loop3A_467 = arith.subi %parallel_loop3A_463, %parallel_loop3A_466 : i32
        %parallel_loop3A_468 = arith.constant 0 : i32
        %parallel_loop3A_469 = arith.cmpi sgt, %parallel_loop3A_459, %parallel_loop3A_468 : i32
        %parallel_loop3A_470 = arith.extui %parallel_loop3A_469 : i1 to i32
        %parallel_loop3A_471 = arith.constant 0 : i32
        %parallel_loop3A_472 = arith.cmpi slt, %parallel_loop3A_459, %parallel_loop3A_471 : i32
        %parallel_loop3A_473 = arith.extui %parallel_loop3A_472 : i1 to i32
        %parallel_loop3A_474 = arith.subi %parallel_loop3A_470, %parallel_loop3A_473 : i32
        %parallel_loop3A_475 = arith.cmpi ne, %parallel_loop3A_467, %parallel_loop3A_474 : i32
        %parallel_loop3A_476 = arith.remsi %parallel_loop3A_458, %parallel_loop3A_459 : i32
        %parallel_loop3A_477 = arith.constant 0 : i32
        %parallel_loop3A_478 = arith.cmpi ne, %parallel_loop3A_476, %parallel_loop3A_477 : i32
        %parallel_loop3A_479 = arith.andi %parallel_loop3A_475, %parallel_loop3A_478 : i1
        %parallel_loop3A_480 = arith.constant 1 : i32
        %parallel_loop3A_481 = arith.subi %parallel_loop3A_460, %parallel_loop3A_480 : i32
        %parallel_loop3A_482 = arith.select %parallel_loop3A_479, %parallel_loop3A_481, %parallel_loop3A_460 : i32
        %parallel_loop3A_483 = arith.constant 8 : i32
        %parallel_loop3A_484 = arith.constant 0 : i32
        %parallel_loop3A_485 = arith.cmpi eq, %parallel_loop3A_483, %parallel_loop3A_484 : i32
        %parallel_loop3A_486 = arith.constant 1 : i32
        %parallel_loop3A_487 = arith.select %parallel_loop3A_485, %parallel_loop3A_486, %parallel_loop3A_483 : i32
        %parallel_loop3A_488 = arith.remsi %parallel_loop3A_458, %parallel_loop3A_487 : i32
        %parallel_loop3A_489 = arith.constant 0 : i32
        %parallel_loop3A_490 = arith.cmpi ne, %parallel_loop3A_488, %parallel_loop3A_489 : i32
        %parallel_loop3A_491 = arith.constant 0 : i32
        %parallel_loop3A_492 = arith.cmpi slt, %parallel_loop3A_488, %parallel_loop3A_491 : i32
        %parallel_loop3A_493 = arith.constant 0 : i32
        %parallel_loop3A_494 = arith.cmpi slt, %parallel_loop3A_487, %parallel_loop3A_493 : i32
        %parallel_loop3A_495 = arith.xori %parallel_loop3A_492, %parallel_loop3A_494 : i1
        %parallel_loop3A_496 = arith.andi %parallel_loop3A_495, %parallel_loop3A_490 : i1
        %parallel_loop3A_497 = arith.addi %parallel_loop3A_488, %parallel_loop3A_487 : i32
        %parallel_loop3A_498 = arith.select %parallel_loop3A_496, %parallel_loop3A_497, %parallel_loop3A_488 : i32
        %parallel_loop3A_499 = arith.constant 16 : i32
        %parallel_loop3A_500 = arith.muli %parallel_loop3A_498, %parallel_loop3A_499 : i32
        %parallel_loop3A_501 = arith.index_cast %sub3A_161 : i32 to index
        %parallel_loop3A_502 = arith.index_cast %parallel_loop3A_482 : i32 to index
        %parallel_loop3A_503 = arith.index_cast %select_n3A_177 : i32 to index
        %parallel_loop3A_504 = arith.index_cast %parallel_loop3A_500 : i32 to index
        %parallel_loop3A_505 = tpu.vector_load %arg6[%parallel_loop3A_501, %parallel_loop3A_502, %parallel_loop3A_503, %parallel_loop3A_504] {strides = array<i32>} : memref<4x8x8x128xi32, #tpu.memory_space<vmem>>, vector<16xi32>,
        %parallel_loop3A_506 = arith.addi %parallel_loop3A_505, %broadcast_in_dim3A : vector<16xi32>
        %parallel_loop3A_507 = tpu.vector_load_idx %arg5[%parallel_loop3A_506] : memref<64064xf32, #tpu.memory_space<vmem>>[vector<16xi32>], vector<16xf32>,
        %parallel_loop3A_508 = arith.constant 8 : i32
        %parallel_loop3A_509 = arith.divsi %parallel_loop3A_458, %parallel_loop3A_508 : i32
        %parallel_loop3A_510 = arith.constant 0 : i32
        %parallel_loop3A_511 = arith.cmpi sgt, %parallel_loop3A_458, %parallel_loop3A_510 : i32
        %parallel_loop3A_512 = arith.extui %parallel_loop3A_511 : i1 to i32
        %parallel_loop3A_513 = arith.constant 0 : i32
        %parallel_loop3A_514 = arith.cmpi slt, %parallel_loop3A_458, %parallel_loop3A_513 : i32
        %parallel_loop3A_515 = arith.extui %parallel_loop3A_514 : i1 to i32
        %parallel_loop3A_516 = arith.subi %parallel_loop3A_512, %parallel_loop3A_515 : i32
        %parallel_loop3A_517 = arith.constant 0 : i32
        %parallel_loop3A_518 = arith.cmpi sgt, %parallel_loop3A_508, %parallel_loop3A_517 : i32
        %parallel_loop3A_519 = arith.extui %parallel_loop3A_518 : i1 to i32
        %parallel_loop3A_520 = arith.constant 0 : i32
        %parallel_loop3A_521 = arith.cmpi slt, %parallel_loop3A_508, %parallel_loop3A_520 : i32
        %parallel_loop3A_522 = arith.extui %parallel_loop3A_521 : i1 to i32
        %parallel_loop3A_523 = arith.subi %parallel_loop3A_519, %parallel_loop3A_522 : i32
        %parallel_loop3A_524 = arith.cmpi ne, %parallel_loop3A_516, %parallel_loop3A_523 : i32
        %parallel_loop3A_525 = arith.remsi %parallel_loop3A_458, %parallel_loop3A_508 : i32
        %parallel_loop3A_526 = arith.constant 0 : i32
        %parallel_loop3A_527 = arith.cmpi ne, %parallel_loop3A_525, %parallel_loop3A_526 : i32
        %parallel_loop3A_528 = arith.andi %parallel_loop3A_524, %parallel_loop3A_527 : i1
        %parallel_loop3A_529 = arith.constant 1 : i32
        %parallel_loop3A_530 = arith.subi %parallel_loop3A_509, %parallel_loop3A_529 : i32
        %parallel_loop3A_531 = arith.select %parallel_loop3A_528, %parallel_loop3A_530, %parallel_loop3A_509 : i32
        %parallel_loop3A_532 = arith.constant 8 : i32
        %parallel_loop3A_533 = arith.constant 0 : i32
        %parallel_loop3A_534 = arith.cmpi eq, %parallel_loop3A_532, %parallel_loop3A_533 : i32
        %parallel_loop3A_535 = arith.constant 1 : i32
        %parallel_loop3A_536 = arith.select %parallel_loop3A_534, %parallel_loop3A_535, %parallel_loop3A_532 : i32
        %parallel_loop3A_537 = arith.remsi %parallel_loop3A_458, %parallel_loop3A_536 : i32
        %parallel_loop3A_538 = arith.constant 0 : i32
        %parallel_loop3A_539 = arith.cmpi ne, %parallel_loop3A_537, %parallel_loop3A_538 : i32
        %parallel_loop3A_540 = arith.constant 0 : i32
        %parallel_loop3A_541 = arith.cmpi slt, %parallel_loop3A_537, %parallel_loop3A_540 : i32
        %parallel_loop3A_542 = arith.constant 0 : i32
        %parallel_loop3A_543 = arith.cmpi slt, %parallel_loop3A_536, %parallel_loop3A_542 : i32
        %parallel_loop3A_544 = arith.xori %parallel_loop3A_541, %parallel_loop3A_543 : i1
        %parallel_loop3A_545 = arith.andi %parallel_loop3A_544, %parallel_loop3A_539 : i1
        %parallel_loop3A_546 = arith.addi %parallel_loop3A_537, %parallel_loop3A_536 : i32
        %parallel_loop3A_547 = arith.select %parallel_loop3A_545, %parallel_loop3A_546, %parallel_loop3A_537 : i32
        %parallel_loop3A_548 = arith.constant 16 : i32
        %parallel_loop3A_549 = arith.muli %parallel_loop3A_547, %parallel_loop3A_548 : i32
        %parallel_loop3A_550 = arith.constant 0 : i32
        %parallel_loop3A_551 = arith.index_cast %parallel_loop3A_531 : i32 to index
        %parallel_loop3A_552 = arith.index_cast %parallel_loop3A_550 : i32 to index
        %parallel_loop3A_553 = arith.index_cast %parallel_loop3A_549 : i32 to index
        %parallel_loop3A_554 = tpu.vector_load %arg7[%parallel_loop3A_551, %parallel_loop3A_552, %parallel_loop3A_553] {strides = array<i32>} : memref<8x8x128xf32, #tpu.memory_space<vmem>>, vector<16xf32>,
        tpu.vector_store %arg7[%parallel_loop3A_551, %parallel_loop3A_552, %parallel_loop3A_553], %parallel_loop3A_507 {strides = array<i32>} : memref<8x8x128xf32, #tpu.memory_space<vmem>>, vector<16xf32>,
        %parallel_loop3A_555 = arith.addi %parallel_loop3A_505, %broadcast_in_dim3A_188 : vector<16xi32>
        %parallel_loop3A_556 = tpu.vector_load_idx %arg5[%parallel_loop3A_555] : memref<64064xf32, #tpu.memory_space<vmem>>[vector<16xi32>], vector<16xf32>,
        %parallel_loop3A_557 = arith.constant 8 : i32
        %parallel_loop3A_558 = arith.divsi %parallel_loop3A_458, %parallel_loop3A_557 : i32
        %parallel_loop3A_559 = arith.constant 0 : i32
        %parallel_loop3A_560 = arith.cmpi sgt, %parallel_loop3A_458, %parallel_loop3A_559 : i32
        %parallel_loop3A_561 = arith.extui %parallel_loop3A_560 : i1 to i32
        %parallel_loop3A_562 = arith.constant 0 : i32
        %parallel_loop3A_563 = arith.cmpi slt, %parallel_loop3A_458, %parallel_loop3A_562 : i32
        %parallel_loop3A_564 = arith.extui %parallel_loop3A_563 : i1 to i32
        %parallel_loop3A_565 = arith.subi %parallel_loop3A_561, %parallel_loop3A_564 : i32
        %parallel_loop3A_566 = arith.constant 0 : i32
        %parallel_loop3A_567 = arith.cmpi sgt, %parallel_loop3A_557, %parallel_loop3A_566 : i32
        %parallel_loop3A_568 = arith.extui %parallel_loop3A_567 : i1 to i32
        %parallel_loop3A_569 = arith.constant 0 : i32
        %parallel_loop3A_570 = arith.cmpi slt, %parallel_loop3A_557, %parallel_loop3A_569 : i32
        %parallel_loop3A_571 = arith.extui %parallel_loop3A_570 : i1 to i32
        %parallel_loop3A_572 = arith.subi %parallel_loop3A_568, %parallel_loop3A_571 : i32
        %parallel_loop3A_573 = arith.cmpi ne, %parallel_loop3A_565, %parallel_loop3A_572 : i32
        %parallel_loop3A_574 = arith.remsi %parallel_loop3A_458, %parallel_loop3A_557 : i32
        %parallel_loop3A_575 = arith.constant 0 : i32
        %parallel_loop3A_576 = arith.cmpi ne, %parallel_loop3A_574, %parallel_loop3A_575 : i32
        %parallel_loop3A_577 = arith.andi %parallel_loop3A_573, %parallel_loop3A_576 : i1
        %parallel_loop3A_578 = arith.constant 1 : i32
        %parallel_loop3A_579 = arith.subi %parallel_loop3A_558, %parallel_loop3A_578 : i32
        %parallel_loop3A_580 = arith.select %parallel_loop3A_577, %parallel_loop3A_579, %parallel_loop3A_558 : i32
        %parallel_loop3A_581 = arith.constant 8 : i32
        %parallel_loop3A_582 = arith.constant 0 : i32
        %parallel_loop3A_583 = arith.cmpi eq, %parallel_loop3A_581, %parallel_loop3A_582 : i32
        %parallel_loop3A_584 = arith.constant 1 : i32
        %parallel_loop3A_585 = arith.select %parallel_loop3A_583, %parallel_loop3A_584, %parallel_loop3A_581 : i32
        %parallel_loop3A_586 = arith.remsi %parallel_loop3A_458, %parallel_loop3A_585 : i32
        %parallel_loop3A_587 = arith.constant 0 : i32
        %parallel_loop3A_588 = arith.cmpi ne, %parallel_loop3A_586, %parallel_loop3A_587 : i32
        %parallel_loop3A_589 = arith.constant 0 : i32
        %parallel_loop3A_590 = arith.cmpi slt, %parallel_loop3A_586, %parallel_loop3A_589 : i32
        %parallel_loop3A_591 = arith.constant 0 : i32
        %parallel_loop3A_592 = arith.cmpi slt, %parallel_loop3A_585, %parallel_loop3A_591 : i32
        %parallel_loop3A_593 = arith.xori %parallel_loop3A_590, %parallel_loop3A_592 : i1
        %parallel_loop3A_594 = arith.andi %parallel_loop3A_593, %parallel_loop3A_588 : i1
        %parallel_loop3A_595 = arith.addi %parallel_loop3A_586, %parallel_loop3A_585 : i32
        %parallel_loop3A_596 = arith.select %parallel_loop3A_594, %parallel_loop3A_595, %parallel_loop3A_586 : i32
        %parallel_loop3A_597 = arith.constant 16 : i32
        %parallel_loop3A_598 = arith.muli %parallel_loop3A_596, %parallel_loop3A_597 : i32
        %parallel_loop3A_599 = arith.constant 1 : i32
        %parallel_loop3A_600 = arith.index_cast %parallel_loop3A_580 : i32 to index
        %parallel_loop3A_601 = arith.index_cast %parallel_loop3A_599 : i32 to index
        %parallel_loop3A_602 = arith.index_cast %parallel_loop3A_598 : i32 to index
        %parallel_loop3A_603 = tpu.vector_load %arg7[%parallel_loop3A_600, %parallel_loop3A_601, %parallel_loop3A_602] {strides = array<i32>} : memref<8x8x128xf32, #tpu.memory_space<vmem>>, vector<16xf32>,
        tpu.vector_store %arg7[%parallel_loop3A_600, %parallel_loop3A_601, %parallel_loop3A_602], %parallel_loop3A_556 {strides = array<i32>} : memref<8x8x128xf32, #tpu.memory_space<vmem>>, vector<16xf32>,
        %parallel_loop3A_604 = arith.addi %parallel_loop3A_505, %broadcast_in_dim3A_193 : vector<16xi32>
        %parallel_loop3A_605 = tpu.vector_load_idx %arg5[%parallel_loop3A_604] : memref<64064xf32, #tpu.memory_space<vmem>>[vector<16xi32>], vector<16xf32>,
        %parallel_loop3A_606 = arith.constant 8 : i32
        %parallel_loop3A_607 = arith.divsi %parallel_loop3A_458, %parallel_loop3A_606 : i32
        %parallel_loop3A_608 = arith.constant 0 : i32
        %parallel_loop3A_609 = arith.cmpi sgt, %parallel_loop3A_458, %parallel_loop3A_608 : i32
        %parallel_loop3A_610 = arith.extui %parallel_loop3A_609 : i1 to i32
        %parallel_loop3A_611 = arith.constant 0 : i32
        %parallel_loop3A_612 = arith.cmpi slt, %parallel_loop3A_458, %parallel_loop3A_611 : i32
        %parallel_loop3A_613 = arith.extui %parallel_loop3A_612 : i1 to i32
        %parallel_loop3A_614 = arith.subi %parallel_loop3A_610, %parallel_loop3A_613 : i32
        %parallel_loop3A_615 = arith.constant 0 : i32
        %parallel_loop3A_616 = arith.cmpi sgt, %parallel_loop3A_606, %parallel_loop3A_615 : i32
        %parallel_loop3A_617 = arith.extui %parallel_loop3A_616 : i1 to i32
        %parallel_loop3A_618 = arith.constant 0 : i32
        %parallel_loop3A_619 = arith.cmpi slt, %parallel_loop3A_606, %parallel_loop3A_618 : i32
        %parallel_loop3A_620 = arith.extui %parallel_loop3A_619 : i1 to i32
        %parallel_loop3A_621 = arith.subi %parallel_loop3A_617, %parallel_loop3A_620 : i32
        %parallel_loop3A_622 = arith.cmpi ne, %parallel_loop3A_614, %parallel_loop3A_621 : i32
        %parallel_loop3A_623 = arith.remsi %parallel_loop3A_458, %parallel_loop3A_606 : i32
        %parallel_loop3A_624 = arith.constant 0 : i32
        %parallel_loop3A_625 = arith.cmpi ne, %parallel_loop3A_623, %parallel_loop3A_624 : i32
        %parallel_loop3A_626 = arith.andi %parallel_loop3A_622, %parallel_loop3A_625 : i1
        %parallel_loop3A_627 = arith.constant 1 : i32
        %parallel_loop3A_628 = arith.subi %parallel_loop3A_607, %parallel_loop3A_627 : i32
        %parallel_loop3A_629 = arith.select %parallel_loop3A_626, %parallel_loop3A_628, %parallel_loop3A_607 : i32
        %parallel_loop3A_630 = arith.constant 8 : i32
        %parallel_loop3A_631 = arith.constant 0 : i32
        %parallel_loop3A_632 = arith.cmpi eq, %parallel_loop3A_630, %parallel_loop3A_631 : i32
        %parallel_loop3A_633 = arith.constant 1 : i32
        %parallel_loop3A_634 = arith.select %parallel_loop3A_632, %parallel_loop3A_633, %parallel_loop3A_630 : i32
        %parallel_loop3A_635 = arith.remsi %parallel_loop3A_458, %parallel_loop3A_634 : i32
        %parallel_loop3A_636 = arith.constant 0 : i32
        %parallel_loop3A_637 = arith.cmpi ne, %parallel_loop3A_635, %parallel_loop3A_636 : i32
        %parallel_loop3A_638 = arith.constant 0 : i32
        %parallel_loop3A_639 = arith.cmpi slt, %parallel_loop3A_635, %parallel_loop3A_638 : i32
        %parallel_loop3A_640 = arith.constant 0 : i32
        %parallel_loop3A_641 = arith.cmpi slt, %parallel_loop3A_634, %parallel_loop3A_640 : i32
        %parallel_loop3A_642 = arith.xori %parallel_loop3A_639, %parallel_loop3A_641 : i1
        %parallel_loop3A_643 = arith.andi %parallel_loop3A_642, %parallel_loop3A_637 : i1
        %parallel_loop3A_644 = arith.addi %parallel_loop3A_635, %parallel_loop3A_634 : i32
        %parallel_loop3A_645 = arith.select %parallel_loop3A_643, %parallel_loop3A_644, %parallel_loop3A_635 : i32
        %parallel_loop3A_646 = arith.constant 16 : i32
        %parallel_loop3A_647 = arith.muli %parallel_loop3A_645, %parallel_loop3A_646 : i32
        %parallel_loop3A_648 = arith.constant 2 : i32
        %parallel_loop3A_649 = arith.index_cast %parallel_loop3A_629 : i32 to index
        %parallel_loop3A_650 = arith.index_cast %parallel_loop3A_648 : i32 to index
        %parallel_loop3A_651 = arith.index_cast %parallel_loop3A_647 : i32 to index
        %parallel_loop3A_652 = tpu.vector_load %arg7[%parallel_loop3A_649, %parallel_loop3A_650, %parallel_loop3A_651] {strides = array<i32>} : memref<8x8x128xf32, #tpu.memory_space<vmem>>, vector<16xf32>,
        tpu.vector_store %arg7[%parallel_loop3A_649, %parallel_loop3A_650, %parallel_loop3A_651], %parallel_loop3A_605 {strides = array<i32>} : memref<8x8x128xf32, #tpu.memory_space<vmem>>, vector<16xf32>,
        %parallel_loop3A_653 = arith.addi %parallel_loop3A_505, %broadcast_in_dim3A_198 : vector<16xi32>
        %parallel_loop3A_654 = tpu.vector_load_idx %arg5[%parallel_loop3A_653] : memref<64064xf32, #tpu.memory_space<vmem>>[vector<16xi32>], vector<16xf32>,
        %parallel_loop3A_655 = arith.constant 8 : i32
        %parallel_loop3A_656 = arith.divsi %parallel_loop3A_458, %parallel_loop3A_655 : i32
        %parallel_loop3A_657 = arith.constant 0 : i32
        %parallel_loop3A_658 = arith.cmpi sgt, %parallel_loop3A_458, %parallel_loop3A_657 : i32
        %parallel_loop3A_659 = arith.extui %parallel_loop3A_658 : i1 to i32
        %parallel_loop3A_660 = arith.constant 0 : i32
        %parallel_loop3A_661 = arith.cmpi slt, %parallel_loop3A_458, %parallel_loop3A_660 : i32
        %parallel_loop3A_662 = arith.extui %parallel_loop3A_661 : i1 to i32
        %parallel_loop3A_663 = arith.subi %parallel_loop3A_659, %parallel_loop3A_662 : i32
        %parallel_loop3A_664 = arith.constant 0 : i32
        %parallel_loop3A_665 = arith.cmpi sgt, %parallel_loop3A_655, %parallel_loop3A_664 : i32
        %parallel_loop3A_666 = arith.extui %parallel_loop3A_665 : i1 to i32
        %parallel_loop3A_667 = arith.constant 0 : i32
        %parallel_loop3A_668 = arith.cmpi slt, %parallel_loop3A_655, %parallel_loop3A_667 : i32
        %parallel_loop3A_669 = arith.extui %parallel_loop3A_668 : i1 to i32
        %parallel_loop3A_670 = arith.subi %parallel_loop3A_666, %parallel_loop3A_669 : i32
        %parallel_loop3A_671 = arith.cmpi ne, %parallel_loop3A_663, %parallel_loop3A_670 : i32
        %parallel_loop3A_672 = arith.remsi %parallel_loop3A_458, %parallel_loop3A_655 : i32
        %parallel_loop3A_673 = arith.constant 0 : i32
        %parallel_loop3A_674 = arith.cmpi ne, %parallel_loop3A_672, %parallel_loop3A_673 : i32
        %parallel_loop3A_675 = arith.andi %parallel_loop3A_671, %parallel_loop3A_674 : i1
        %parallel_loop3A_676 = arith.constant 1 : i32
        %parallel_loop3A_677 = arith.subi %parallel_loop3A_656, %parallel_loop3A_676 : i32
        %parallel_loop3A_678 = arith.select %parallel_loop3A_675, %parallel_loop3A_677, %parallel_loop3A_656 : i32
        %parallel_loop3A_679 = arith.constant 8 : i32
        %parallel_loop3A_680 = arith.constant 0 : i32
        %parallel_loop3A_681 = arith.cmpi eq, %parallel_loop3A_679, %parallel_loop3A_680 : i32
        %parallel_loop3A_682 = arith.constant 1 : i32
        %parallel_loop3A_683 = arith.select %parallel_loop3A_681, %parallel_loop3A_682, %parallel_loop3A_679 : i32
        %parallel_loop3A_684 = arith.remsi %parallel_loop3A_458, %parallel_loop3A_683 : i32
        %parallel_loop3A_685 = arith.constant 0 : i32
        %parallel_loop3A_686 = arith.cmpi ne, %parallel_loop3A_684, %parallel_loop3A_685 : i32
        %parallel_loop3A_687 = arith.constant 0 : i32
        %parallel_loop3A_688 = arith.cmpi slt, %parallel_loop3A_684, %parallel_loop3A_687 : i32
        %parallel_loop3A_689 = arith.constant 0 : i32
        %parallel_loop3A_690 = arith.cmpi slt, %parallel_loop3A_683, %parallel_loop3A_689 : i32
        %parallel_loop3A_691 = arith.xori %parallel_loop3A_688, %parallel_loop3A_690 : i1
        %parallel_loop3A_692 = arith.andi %parallel_loop3A_691, %parallel_loop3A_686 : i1
        %parallel_loop3A_693 = arith.addi %parallel_loop3A_684, %parallel_loop3A_683 : i32
        %parallel_loop3A_694 = arith.select %parallel_loop3A_692, %parallel_loop3A_693, %parallel_loop3A_684 : i32
        %parallel_loop3A_695 = arith.constant 16 : i32
        %parallel_loop3A_696 = arith.muli %parallel_loop3A_694, %parallel_loop3A_695 : i32
        %parallel_loop3A_697 = arith.constant 3 : i32
        %parallel_loop3A_698 = arith.index_cast %parallel_loop3A_678 : i32 to index
        %parallel_loop3A_699 = arith.index_cast %parallel_loop3A_697 : i32 to index
        %parallel_loop3A_700 = arith.index_cast %parallel_loop3A_696 : i32 to index
        %parallel_loop3A_701 = tpu.vector_load %arg7[%parallel_loop3A_698, %parallel_loop3A_699, %parallel_loop3A_700] {strides = array<i32>} : memref<8x8x128xf32, #tpu.memory_space<vmem>>, vector<16xf32>,
        tpu.vector_store %arg7[%parallel_loop3A_698, %parallel_loop3A_699, %parallel_loop3A_700], %parallel_loop3A_654 {strides = array<i32>} : memref<8x8x128xf32, #tpu.memory_space<vmem>>, vector<16xf32>,
        %parallel_loop3A_702 = arith.addi %parallel_loop3A_505, %broadcast_in_dim3A_203 : vector<16xi32>
        %parallel_loop3A_703 = tpu.vector_load_idx %arg5[%parallel_loop3A_702] : memref<64064xf32, #tpu.memory_space<vmem>>[vector<16xi32>], vector<16xf32>,
        %parallel_loop3A_704 = arith.constant 8 : i32
        %parallel_loop3A_705 = arith.divsi %parallel_loop3A_458, %parallel_loop3A_704 : i32
        %parallel_loop3A_706 = arith.constant 0 : i32
        %parallel_loop3A_707 = arith.cmpi sgt, %parallel_loop3A_458, %parallel_loop3A_706 : i32
        %parallel_loop3A_708 = arith.extui %parallel_loop3A_707 : i1 to i32
        %parallel_loop3A_709 = arith.constant 0 : i32
        %parallel_loop3A_710 = arith.cmpi slt, %parallel_loop3A_458, %parallel_loop3A_709 : i32
        %parallel_loop3A_711 = arith.extui %parallel_loop3A_710 : i1 to i32
        %parallel_loop3A_712 = arith.subi %parallel_loop3A_708, %parallel_loop3A_711 : i32
        %parallel_loop3A_713 = arith.constant 0 : i32
        %parallel_loop3A_714 = arith.cmpi sgt, %parallel_loop3A_704, %parallel_loop3A_713 : i32
        %parallel_loop3A_715 = arith.extui %parallel_loop3A_714 : i1 to i32
        %parallel_loop3A_716 = arith.constant 0 : i32
        %parallel_loop3A_717 = arith.cmpi slt, %parallel_loop3A_704, %parallel_loop3A_716 : i32
        %parallel_loop3A_718 = arith.extui %parallel_loop3A_717 : i1 to i32
        %parallel_loop3A_719 = arith.subi %parallel_loop3A_715, %parallel_loop3A_718 : i32
        %parallel_loop3A_720 = arith.cmpi ne, %parallel_loop3A_712, %parallel_loop3A_719 : i32
        %parallel_loop3A_721 = arith.remsi %parallel_loop3A_458, %parallel_loop3A_704 : i32
        %parallel_loop3A_722 = arith.constant 0 : i32
        %parallel_loop3A_723 = arith.cmpi ne, %parallel_loop3A_721, %parallel_loop3A_722 : i32
        %parallel_loop3A_724 = arith.andi %parallel_loop3A_720, %parallel_loop3A_723 : i1
        %parallel_loop3A_725 = arith.constant 1 : i32
        %parallel_loop3A_726 = arith.subi %parallel_loop3A_705, %parallel_loop3A_725 : i32
        %parallel_loop3A_727 = arith.select %parallel_loop3A_724, %parallel_loop3A_726, %parallel_loop3A_705 : i32
        %parallel_loop3A_728 = arith.constant 8 : i32
        %parallel_loop3A_729 = arith.constant 0 : i32
        %parallel_loop3A_730 = arith.cmpi eq, %parallel_loop3A_728, %parallel_loop3A_729 : i32
        %parallel_loop3A_731 = arith.constant 1 : i32
        %parallel_loop3A_732 = arith.select %parallel_loop3A_730, %parallel_loop3A_731, %parallel_loop3A_728 : i32
        %parallel_loop3A_733 = arith.remsi %parallel_loop3A_458, %parallel_loop3A_732 : i32
        %parallel_loop3A_734 = arith.constant 0 : i32
        %parallel_loop3A_735 = arith.cmpi ne, %parallel_loop3A_733, %parallel_loop3A_734 : i32
        %parallel_loop3A_736 = arith.constant 0 : i32
        %parallel_loop3A_737 = arith.cmpi slt, %parallel_loop3A_733, %parallel_loop3A_736 : i32
        %parallel_loop3A_738 = arith.constant 0 : i32
        %parallel_loop3A_739 = arith.cmpi slt, %parallel_loop3A_732, %parallel_loop3A_738 : i32
        %parallel_loop3A_740 = arith.xori %parallel_loop3A_737, %parallel_loop3A_739 : i1
        %parallel_loop3A_741 = arith.andi %parallel_loop3A_740, %parallel_loop3A_735 : i1
        %parallel_loop3A_742 = arith.addi %parallel_loop3A_733, %parallel_loop3A_732 : i32
        %parallel_loop3A_743 = arith.select %parallel_loop3A_741, %parallel_loop3A_742, %parallel_loop3A_733 : i32
        %parallel_loop3A_744 = arith.constant 16 : i32
        %parallel_loop3A_745 = arith.muli %parallel_loop3A_743, %parallel_loop3A_744 : i32
        %parallel_loop3A_746 = arith.constant 4 : i32
        %parallel_loop3A_747 = arith.index_cast %parallel_loop3A_727 : i32 to index
        %parallel_loop3A_748 = arith.index_cast %parallel_loop3A_746 : i32 to index
        %parallel_loop3A_749 = arith.index_cast %parallel_loop3A_745 : i32 to index
        %parallel_loop3A_750 = tpu.vector_load %arg7[%parallel_loop3A_747, %parallel_loop3A_748, %parallel_loop3A_749] {strides = array<i32>} : memref<8x8x128xf32, #tpu.memory_space<vmem>>, vector<16xf32>,
        tpu.vector_store %arg7[%parallel_loop3A_747, %parallel_loop3A_748, %parallel_loop3A_749], %parallel_loop3A_703 {strides = array<i32>} : memref<8x8x128xf32, #tpu.memory_space<vmem>>, vector<16xf32>,
        %parallel_loop3A_751 = arith.addi %parallel_loop3A_505, %broadcast_in_dim3A_208 : vector<16xi32>
        %parallel_loop3A_752 = tpu.vector_load_idx %arg5[%parallel_loop3A_751] : memref<64064xf32, #tpu.memory_space<vmem>>[vector<16xi32>], vector<16xf32>,
        %parallel_loop3A_753 = arith.constant 8 : i32
        %parallel_loop3A_754 = arith.divsi %parallel_loop3A_458, %parallel_loop3A_753 : i32
        %parallel_loop3A_755 = arith.constant 0 : i32
        %parallel_loop3A_756 = arith.cmpi sgt, %parallel_loop3A_458, %parallel_loop3A_755 : i32
        %parallel_loop3A_757 = arith.extui %parallel_loop3A_756 : i1 to i32
        %parallel_loop3A_758 = arith.constant 0 : i32
        %parallel_loop3A_759 = arith.cmpi slt, %parallel_loop3A_458, %parallel_loop3A_758 : i32
        %parallel_loop3A_760 = arith.extui %parallel_loop3A_759 : i1 to i32
        %parallel_loop3A_761 = arith.subi %parallel_loop3A_757, %parallel_loop3A_760 : i32
        %parallel_loop3A_762 = arith.constant 0 : i32
        %parallel_loop3A_763 = arith.cmpi sgt, %parallel_loop3A_753, %parallel_loop3A_762 : i32
        %parallel_loop3A_764 = arith.extui %parallel_loop3A_763 : i1 to i32
        %parallel_loop3A_765 = arith.constant 0 : i32
        %parallel_loop3A_766 = arith.cmpi slt, %parallel_loop3A_753, %parallel_loop3A_765 : i32
        %parallel_loop3A_767 = arith.extui %parallel_loop3A_766 : i1 to i32
        %parallel_loop3A_768 = arith.subi %parallel_loop3A_764, %parallel_loop3A_767 : i32
        %parallel_loop3A_769 = arith.cmpi ne, %parallel_loop3A_761, %parallel_loop3A_768 : i32
        %parallel_loop3A_770 = arith.remsi %parallel_loop3A_458, %parallel_loop3A_753 : i32
        %parallel_loop3A_771 = arith.constant 0 : i32
        %parallel_loop3A_772 = arith.cmpi ne, %parallel_loop3A_770, %parallel_loop3A_771 : i32
        %parallel_loop3A_773 = arith.andi %parallel_loop3A_769, %parallel_loop3A_772 : i1
        %parallel_loop3A_774 = arith.constant 1 : i32
        %parallel_loop3A_775 = arith.subi %parallel_loop3A_754, %parallel_loop3A_774 : i32
        %parallel_loop3A_776 = arith.select %parallel_loop3A_773, %parallel_loop3A_775, %parallel_loop3A_754 : i32
        %parallel_loop3A_777 = arith.constant 8 : i32
        %parallel_loop3A_778 = arith.constant 0 : i32
        %parallel_loop3A_779 = arith.cmpi eq, %parallel_loop3A_777, %parallel_loop3A_778 : i32
        %parallel_loop3A_780 = arith.constant 1 : i32
        %parallel_loop3A_781 = arith.select %parallel_loop3A_779, %parallel_loop3A_780, %parallel_loop3A_777 : i32
        %parallel_loop3A_782 = arith.remsi %parallel_loop3A_458, %parallel_loop3A_781 : i32
        %parallel_loop3A_783 = arith.constant 0 : i32
        %parallel_loop3A_784 = arith.cmpi ne, %parallel_loop3A_782, %parallel_loop3A_783 : i32
        %parallel_loop3A_785 = arith.constant 0 : i32
        %parallel_loop3A_786 = arith.cmpi slt, %parallel_loop3A_782, %parallel_loop3A_785 : i32
        %parallel_loop3A_787 = arith.constant 0 : i32
        %parallel_loop3A_788 = arith.cmpi slt, %parallel_loop3A_781, %parallel_loop3A_787 : i32
        %parallel_loop3A_789 = arith.xori %parallel_loop3A_786, %parallel_loop3A_788 : i1
        %parallel_loop3A_790 = arith.andi %parallel_loop3A_789, %parallel_loop3A_784 : i1
        %parallel_loop3A_791 = arith.addi %parallel_loop3A_782, %parallel_loop3A_781 : i32
        %parallel_loop3A_792 = arith.select %parallel_loop3A_790, %parallel_loop3A_791, %parallel_loop3A_782 : i32
        %parallel_loop3A_793 = arith.constant 16 : i32
        %parallel_loop3A_794 = arith.muli %parallel_loop3A_792, %parallel_loop3A_793 : i32
        %parallel_loop3A_795 = arith.constant 5 : i32
        %parallel_loop3A_796 = arith.index_cast %parallel_loop3A_776 : i32 to index
        %parallel_loop3A_797 = arith.index_cast %parallel_loop3A_795 : i32 to index
        %parallel_loop3A_798 = arith.index_cast %parallel_loop3A_794 : i32 to index
        %parallel_loop3A_799 = tpu.vector_load %arg7[%parallel_loop3A_796, %parallel_loop3A_797, %parallel_loop3A_798] {strides = array<i32>} : memref<8x8x128xf32, #tpu.memory_space<vmem>>, vector<16xf32>,
        tpu.vector_store %arg7[%parallel_loop3A_796, %parallel_loop3A_797, %parallel_loop3A_798], %parallel_loop3A_752 {strides = array<i32>} : memref<8x8x128xf32, #tpu.memory_space<vmem>>, vector<16xf32>,
        %parallel_loop3A_800 = arith.addi %parallel_loop3A_505, %broadcast_in_dim3A_213 : vector<16xi32>
        %parallel_loop3A_801 = tpu.vector_load_idx %arg5[%parallel_loop3A_800] : memref<64064xf32, #tpu.memory_space<vmem>>[vector<16xi32>], vector<16xf32>,
        %parallel_loop3A_802 = arith.constant 8 : i32
        %parallel_loop3A_803 = arith.divsi %parallel_loop3A_458, %parallel_loop3A_802 : i32
        %parallel_loop3A_804 = arith.constant 0 : i32
        %parallel_loop3A_805 = arith.cmpi sgt, %parallel_loop3A_458, %parallel_loop3A_804 : i32
        %parallel_loop3A_806 = arith.extui %parallel_loop3A_805 : i1 to i32
        %parallel_loop3A_807 = arith.constant 0 : i32
        %parallel_loop3A_808 = arith.cmpi slt, %parallel_loop3A_458, %parallel_loop3A_807 : i32
        %parallel_loop3A_809 = arith.extui %parallel_loop3A_808 : i1 to i32
        %parallel_loop3A_810 = arith.subi %parallel_loop3A_806, %parallel_loop3A_809 : i32
        %parallel_loop3A_811 = arith.constant 0 : i32
        %parallel_loop3A_812 = arith.cmpi sgt, %parallel_loop3A_802, %parallel_loop3A_811 : i32
        %parallel_loop3A_813 = arith.extui %parallel_loop3A_812 : i1 to i32
        %parallel_loop3A_814 = arith.constant 0 : i32
        %parallel_loop3A_815 = arith.cmpi slt, %parallel_loop3A_802, %parallel_loop3A_814 : i32
        %parallel_loop3A_816 = arith.extui %parallel_loop3A_815 : i1 to i32
        %parallel_loop3A_817 = arith.subi %parallel_loop3A_813, %parallel_loop3A_816 : i32
        %parallel_loop3A_818 = arith.cmpi ne, %parallel_loop3A_810, %parallel_loop3A_817 : i32
        %parallel_loop3A_819 = arith.remsi %parallel_loop3A_458, %parallel_loop3A_802 : i32
        %parallel_loop3A_820 = arith.constant 0 : i32
        %parallel_loop3A_821 = arith.cmpi ne, %parallel_loop3A_819, %parallel_loop3A_820 : i32
        %parallel_loop3A_822 = arith.andi %parallel_loop3A_818, %parallel_loop3A_821 : i1
        %parallel_loop3A_823 = arith.constant 1 : i32
        %parallel_loop3A_824 = arith.subi %parallel_loop3A_803, %parallel_loop3A_823 : i32
        %parallel_loop3A_825 = arith.select %parallel_loop3A_822, %parallel_loop3A_824, %parallel_loop3A_803 : i32
        %parallel_loop3A_826 = arith.constant 8 : i32
        %parallel_loop3A_827 = arith.constant 0 : i32
        %parallel_loop3A_828 = arith.cmpi eq, %parallel_loop3A_826, %parallel_loop3A_827 : i32
        %parallel_loop3A_829 = arith.constant 1 : i32
        %parallel_loop3A_830 = arith.select %parallel_loop3A_828, %parallel_loop3A_829, %parallel_loop3A_826 : i32
        %parallel_loop3A_831 = arith.remsi %parallel_loop3A_458, %parallel_loop3A_830 : i32
        %parallel_loop3A_832 = arith.constant 0 : i32
        %parallel_loop3A_833 = arith.cmpi ne, %parallel_loop3A_831, %parallel_loop3A_832 : i32
        %parallel_loop3A_834 = arith.constant 0 : i32
        %parallel_loop3A_835 = arith.cmpi slt, %parallel_loop3A_831, %parallel_loop3A_834 : i32
        %parallel_loop3A_836 = arith.constant 0 : i32
        %parallel_loop3A_837 = arith.cmpi slt, %parallel_loop3A_830, %parallel_loop3A_836 : i32
        %parallel_loop3A_838 = arith.xori %parallel_loop3A_835, %parallel_loop3A_837 : i1
        %parallel_loop3A_839 = arith.andi %parallel_loop3A_838, %parallel_loop3A_833 : i1
        %parallel_loop3A_840 = arith.addi %parallel_loop3A_831, %parallel_loop3A_830 : i32
        %parallel_loop3A_841 = arith.select %parallel_loop3A_839, %parallel_loop3A_840, %parallel_loop3A_831 : i32
        %parallel_loop3A_842 = arith.constant 16 : i32
        %parallel_loop3A_843 = arith.muli %parallel_loop3A_841, %parallel_loop3A_842 : i32
        %parallel_loop3A_844 = arith.constant 6 : i32
        %parallel_loop3A_845 = arith.index_cast %parallel_loop3A_825 : i32 to index
        %parallel_loop3A_846 = arith.index_cast %parallel_loop3A_844 : i32 to index
        %parallel_loop3A_847 = arith.index_cast %parallel_loop3A_843 : i32 to index
        %parallel_loop3A_848 = tpu.vector_load %arg7[%parallel_loop3A_845, %parallel_loop3A_846, %parallel_loop3A_847] {strides = array<i32>} : memref<8x8x128xf32, #tpu.memory_space<vmem>>, vector<16xf32>,
        tpu.vector_store %arg7[%parallel_loop3A_845, %parallel_loop3A_846, %parallel_loop3A_847], %parallel_loop3A_801 {strides = array<i32>} : memref<8x8x128xf32, #tpu.memory_space<vmem>>, vector<16xf32>,
        %parallel_loop3A_849 = arith.addi %parallel_loop3A_505, %broadcast_in_dim3A_218 : vector<16xi32>
        %parallel_loop3A_850 = tpu.vector_load_idx %arg5[%parallel_loop3A_849] : memref<64064xf32, #tpu.memory_space<vmem>>[vector<16xi32>], vector<16xf32>,
        %parallel_loop3A_851 = arith.constant 8 : i32
        %parallel_loop3A_852 = arith.divsi %parallel_loop3A_458, %parallel_loop3A_851 : i32
        %parallel_loop3A_853 = arith.constant 0 : i32
        %parallel_loop3A_854 = arith.cmpi sgt, %parallel_loop3A_458, %parallel_loop3A_853 : i32
        %parallel_loop3A_855 = arith.extui %parallel_loop3A_854 : i1 to i32
        %parallel_loop3A_856 = arith.constant 0 : i32
        %parallel_loop3A_857 = arith.cmpi slt, %parallel_loop3A_458, %parallel_loop3A_856 : i32
        %parallel_loop3A_858 = arith.extui %parallel_loop3A_857 : i1 to i32
        %parallel_loop3A_859 = arith.subi %parallel_loop3A_855, %parallel_loop3A_858 : i32
        %parallel_loop3A_860 = arith.constant 0 : i32
        %parallel_loop3A_861 = arith.cmpi sgt, %parallel_loop3A_851, %parallel_loop3A_860 : i32
        %parallel_loop3A_862 = arith.extui %parallel_loop3A_861 : i1 to i32
        %parallel_loop3A_863 = arith.constant 0 : i32
        %parallel_loop3A_864 = arith.cmpi slt, %parallel_loop3A_851, %parallel_loop3A_863 : i32
        %parallel_loop3A_865 = arith.extui %parallel_loop3A_864 : i1 to i32
        %parallel_loop3A_866 = arith.subi %parallel_loop3A_862, %parallel_loop3A_865 : i32
        %parallel_loop3A_867 = arith.cmpi ne, %parallel_loop3A_859, %parallel_loop3A_866 : i32
        %parallel_loop3A_868 = arith.remsi %parallel_loop3A_458, %parallel_loop3A_851 : i32
        %parallel_loop3A_869 = arith.constant 0 : i32
        %parallel_loop3A_870 = arith.cmpi ne, %parallel_loop3A_868, %parallel_loop3A_869 : i32
        %parallel_loop3A_871 = arith.andi %parallel_loop3A_867, %parallel_loop3A_870 : i1
        %parallel_loop3A_872 = arith.constant 1 : i32
        %parallel_loop3A_873 = arith.subi %parallel_loop3A_852, %parallel_loop3A_872 : i32
        %parallel_loop3A_874 = arith.select %parallel_loop3A_871, %parallel_loop3A_873, %parallel_loop3A_852 : i32
        %parallel_loop3A_875 = arith.constant 8 : i32
        %parallel_loop3A_876 = arith.constant 0 : i32
        %parallel_loop3A_877 = arith.cmpi eq, %parallel_loop3A_875, %parallel_loop3A_876 : i32
        %parallel_loop3A_878 = arith.constant 1 : i32
        %parallel_loop3A_879 = arith.select %parallel_loop3A_877, %parallel_loop3A_878, %parallel_loop3A_875 : i32
        %parallel_loop3A_880 = arith.remsi %parallel_loop3A_458, %parallel_loop3A_879 : i32
        %parallel_loop3A_881 = arith.constant 0 : i32
        %parallel_loop3A_882 = arith.cmpi ne, %parallel_loop3A_880, %parallel_loop3A_881 : i32
        %parallel_loop3A_883 = arith.constant 0 : i32
        %parallel_loop3A_884 = arith.cmpi slt, %parallel_loop3A_880, %parallel_loop3A_883 : i32
        %parallel_loop3A_885 = arith.constant 0 : i32
        %parallel_loop3A_886 = arith.cmpi slt, %parallel_loop3A_879, %parallel_loop3A_885 : i32
        %parallel_loop3A_887 = arith.xori %parallel_loop3A_884, %parallel_loop3A_886 : i1
        %parallel_loop3A_888 = arith.andi %parallel_loop3A_887, %parallel_loop3A_882 : i1
        %parallel_loop3A_889 = arith.addi %parallel_loop3A_880, %parallel_loop3A_879 : i32
        %parallel_loop3A_890 = arith.select %parallel_loop3A_888, %parallel_loop3A_889, %parallel_loop3A_880 : i32
        %parallel_loop3A_891 = arith.constant 16 : i32
        %parallel_loop3A_892 = arith.muli %parallel_loop3A_890, %parallel_loop3A_891 : i32
        %parallel_loop3A_893 = arith.constant 7 : i32
        %parallel_loop3A_894 = arith.index_cast %parallel_loop3A_874 : i32 to index
        %parallel_loop3A_895 = arith.index_cast %parallel_loop3A_893 : i32 to index
        %parallel_loop3A_896 = arith.index_cast %parallel_loop3A_892 : i32 to index
        %parallel_loop3A_897 = tpu.vector_load %arg7[%parallel_loop3A_894, %parallel_loop3A_895, %parallel_loop3A_896] {strides = array<i32>} : memref<8x8x128xf32, #tpu.memory_space<vmem>>, vector<16xf32>,
        tpu.vector_store %arg7[%parallel_loop3A_894, %parallel_loop3A_895, %parallel_loop3A_896], %parallel_loop3A_850 {strides = array<i32>} : memref<8x8x128xf32, #tpu.memory_space<vmem>>, vector<16xf32>,
      } {sc.loop_unroll_factor = 8 : i64, sc.parallel_access}
      %jit3A_221 = arith.constant 8 : i32
      %div3A_222 = arith.divsi %add3A_93, %jit3A_221 : i32
      %sign3A_223 = arith.constant 0 : i32
      %sign3A_224 = arith.cmpi sgt, %add3A_93, %sign3A_223 : i32
      %sign3A_225 = arith.extui %sign3A_224 : i1 to i32
      %sign3A_226 = arith.constant 0 : i32
      %sign3A_227 = arith.cmpi slt, %add3A_93, %sign3A_226 : i32
      %sign3A_228 = arith.extui %sign3A_227 : i1 to i32
      %sign3A_229 = arith.subi %sign3A_225, %sign3A_228 : i32
      %sign3A_230 = arith.constant 0 : i32
      %sign3A_231 = arith.cmpi sgt, %jit3A_221, %sign3A_230 : i32
      %sign3A_232 = arith.extui %sign3A_231 : i1 to i32
      %sign3A_233 = arith.constant 0 : i32
      %sign3A_234 = arith.cmpi slt, %jit3A_221, %sign3A_233 : i32
      %sign3A_235 = arith.extui %sign3A_234 : i1 to i32
      %sign3A_236 = arith.subi %sign3A_232, %sign3A_235 : i32
      %ne3A_237 = arith.cmpi ne, %sign3A_229, %sign3A_236 : i32
      %rem3A_238 = arith.remsi %add3A_93, %jit3A_221 : i32
      %ne3A_239 = arith.constant 0 : i32
      %ne3A_240 = arith.cmpi ne, %rem3A_238, %ne3A_239 : i32
      %and3A_241 = arith.andi %ne3A_237, %ne3A_240 : i1
      %sub3A_242 = arith.constant 1 : i32
      %sub3A_243 = arith.subi %div3A_222, %sub3A_242 : i32
      %select_n3A_244 = arith.select %and3A_241, %sub3A_243, %div3A_222 : i32
      %add3A_245 = arith.addi %mul3A_32, %select_n3A_244 : i32
      %jit3A_246 = arith.constant 8 : i32
      %eq3A_247 = arith.constant 0 : i32
      %eq3A_248 = arith.cmpi eq, %jit3A_246, %eq3A_247 : i32
      %jit3A_249 = arith.constant 1 : i32
      %select_n3A_250 = arith.select %eq3A_248, %jit3A_249, %jit3A_246 : i32
      %rem3A_251 = arith.remsi %add3A_93, %select_n3A_250 : i32
      %ne3A_252 = arith.constant 0 : i32
      %ne3A_253 = arith.cmpi ne, %rem3A_251, %ne3A_252 : i32
      %lt3A_254 = arith.constant 0 : i32
      %lt3A_255 = arith.cmpi slt, %rem3A_251, %lt3A_254 : i32
      %lt3A_256 = arith.constant 0 : i32
      %lt3A_257 = arith.cmpi slt, %select_n3A_250, %lt3A_256 : i32
      %ne3A_258 = arith.xori %lt3A_255, %lt3A_257 : i1
      %and3A_259 = arith.andi %ne3A_258, %ne3A_253 : i1
      %add3A_260 = arith.addi %rem3A_251, %select_n3A_250 : i32
      %select_n3A_261 = arith.select %and3A_259, %add3A_260, %rem3A_251 : i32
      %mul3A_262 = arith.constant 8 : i32
      %mul3A_263 = arith.muli %select_n3A_30, %mul3A_262 : i32
      %dma_start3A = arith.constant 0 : i32
      %dma_start3A_264 = arith.constant 0 : i32
      %dma_start3A_265 = tpu.memref_slice %arg4[%add3A_245, %select_n3A_261, %mul3A_263, %dma_start3A, %dma_start3A_264] : memref<200x8x32x8x128xf32, #tpu.memory_space<hbm>> -> memref<1x1x8x8x128xf32, #tpu.memory_space<hbm>>
      %dma_start3A_266 = tpu.memref_squeeze %dma_start3A_265 : memref<1x1x8x8x128xf32, #tpu.memory_space<hbm>> -> memref<8x8x128xf32, #tpu.memory_space<hbm>>
      %dma_start3A_267 = arith.constant 0 : i32
      %dma_start3A_268 = arith.constant 0 : i32
      %dma_start3A_269 = tpu.memref_slice %arg4[%add3A_245, %select_n3A_261, %mul3A_263, %dma_start3A_267, %dma_start3A_268] : memref<200x8x32x8x128xf32, #tpu.memory_space<hbm>> -> memref<1x1x8x8x128xf32, #tpu.memory_space<hbm>>
      %dma_start3A_270 = tpu.memref_squeeze %dma_start3A_269 : memref<1x1x8x8x128xf32, #tpu.memory_space<hbm>> -> memref<8x8x128xf32, #tpu.memory_space<hbm>>
      tpu.enqueue_dma source(%arg7 : memref<8x8x128xf32, #tpu.memory_space<vmem>>) target(%dma_start3A_270 : memref<8x8x128xf32, #tpu.memory_space<hbm>>) target_semaphore(%arg9 : memref<!tpu.dma_semaphore, #tpu.memory_space<semaphore_mem>>)
      %mul3A_271 = arith.constant 2 : i32
      %mul3A_272 = arith.muli %scan3A_89, %mul3A_271 : i32
      %add3A_273 = arith.constant 1 : i32
      %add3A_274 = arith.addi %mul3A_272, %add3A_273 : i32
      %gt3A_275 = arith.constant 0 : i32
      %gt3A_276 = arith.cmpi sgt, %scan3A_89, %gt3A_275 : i32
      %convert_element_type3A_277 = arith.extui %gt3A_276 : i1 to i32
      %cond3A_278 = arith.constant 0 : i32
      %cond3A_279 = arith.cmpi ne, %convert_element_type3A_277, %cond3A_278 : i32
      scf.if %cond3A_279 {
        %jit3A_458 = arith.constant 8 : i32
        %div3A_459 = arith.divsi %add3A_274, %jit3A_458 : i32
        %sign3A_460 = arith.constant 0 : i32
        %sign3A_461 = arith.cmpi sgt, %add3A_274, %sign3A_460 : i32
        %sign3A_462 = arith.extui %sign3A_461 : i1 to i32
        %sign3A_463 = arith.constant 0 : i32
        %sign3A_464 = arith.cmpi slt, %add3A_274, %sign3A_463 : i32
        %sign3A_465 = arith.extui %sign3A_464 : i1 to i32
        %sign3A_466 = arith.subi %sign3A_462, %sign3A_465 : i32
        %sign3A_467 = arith.constant 0 : i32
        %sign3A_468 = arith.cmpi sgt, %jit3A_458, %sign3A_467 : i32
        %sign3A_469 = arith.extui %sign3A_468 : i1 to i32
        %sign3A_470 = arith.constant 0 : i32
        %sign3A_471 = arith.cmpi slt, %jit3A_458, %sign3A_470 : i32
        %sign3A_472 = arith.extui %sign3A_471 : i1 to i32
        %sign3A_473 = arith.subi %sign3A_469, %sign3A_472 : i32
        %ne3A_474 = arith.cmpi ne, %sign3A_466, %sign3A_473 : i32
        %rem3A_475 = arith.remsi %add3A_274, %jit3A_458 : i32
        %ne3A_476 = arith.constant 0 : i32
        %ne3A_477 = arith.cmpi ne, %rem3A_475, %ne3A_476 : i32
        %and3A_478 = arith.andi %ne3A_474, %ne3A_477 : i1
        %sub3A_479 = arith.constant 1 : i32
        %sub3A_480 = arith.subi %div3A_459, %sub3A_479 : i32
        %select_n3A_481 = arith.select %and3A_478, %sub3A_480, %div3A_459 : i32
        %add3A_482 = arith.addi %mul3A_32, %select_n3A_481 : i32
        %jit3A_483 = arith.constant 8 : i32
        %eq3A_484 = arith.constant 0 : i32
        %eq3A_485 = arith.cmpi eq, %jit3A_483, %eq3A_484 : i32
        %jit3A_486 = arith.constant 1 : i32
        %select_n3A_487 = arith.select %eq3A_485, %jit3A_486, %jit3A_483 : i32
        %rem3A_488 = arith.remsi %add3A_274, %select_n3A_487 : i32
        %ne3A_489 = arith.constant 0 : i32
        %ne3A_490 = arith.cmpi ne, %rem3A_488, %ne3A_489 : i32
        %lt3A_491 = arith.constant 0 : i32
        %lt3A_492 = arith.cmpi slt, %rem3A_488, %lt3A_491 : i32
        %lt3A_493 = arith.constant 0 : i32
        %lt3A_494 = arith.cmpi slt, %select_n3A_487, %lt3A_493 : i32
        %ne3A_495 = arith.xori %lt3A_492, %lt3A_494 : i1
        %and3A_496 = arith.andi %ne3A_495, %ne3A_490 : i1
        %add3A_497 = arith.addi %rem3A_488, %select_n3A_487 : i32
        %select_n3A_498 = arith.select %and3A_496, %add3A_497, %rem3A_488 : i32
        %mul3A_499 = arith.constant 8 : i32
        %mul3A_500 = arith.muli %select_n3A_30, %mul3A_499 : i32
        %dma_wait3A_501 = arith.constant 0 : i32
        %dma_wait3A_502 = arith.constant 0 : i32
        %dma_wait3A_503 = tpu.memref_slice %arg4[%add3A_482, %select_n3A_498, %mul3A_500, %dma_wait3A_501, %dma_wait3A_502] : memref<200x8x32x8x128xf32, #tpu.memory_space<hbm>> -> memref<1x1x8x8x128xf32, #tpu.memory_space<hbm>>
        %dma_wait3A_504 = tpu.memref_squeeze %dma_wait3A_503 : memref<1x1x8x8x128xf32, #tpu.memory_space<hbm>> -> memref<8x8x128xf32, #tpu.memory_space<hbm>>
        %dma_wait3A_505 = arith.constant 0 : i32
        %dma_wait3A_506 = arith.constant 0 : i32
        %dma_wait3A_507 = tpu.memref_slice %arg4[%add3A_482, %select_n3A_498, %mul3A_500, %dma_wait3A_505, %dma_wait3A_506] : memref<200x8x32x8x128xf32, #tpu.memory_space<hbm>> -> memref<1x1x8x8x128xf32, #tpu.memory_space<hbm>>
        %dma_wait3A_508 = tpu.memref_squeeze %dma_wait3A_507 : memref<1x1x8x8x128xf32, #tpu.memory_space<hbm>> -> memref<8x8x128xf32, #tpu.memory_space<hbm>>
        tpu.wait_dma2 semaphore(%arg10 : memref<!tpu.dma_semaphore, #tpu.memory_space<semaphore_mem>>) src(%arg8 : memref<8x8x128xf32, #tpu.memory_space<vmem>>) dst(%dma_wait3A_508 : memref<8x8x128xf32, #tpu.memory_space<hbm>>)
      } else {
      }
      %jit3A_280 = arith.constant 8 : i32
      %div3A_281 = arith.divsi %add3A_274, %jit3A_280 : i32
      %sign3A_282 = arith.constant 0 : i32
      %sign3A_283 = arith.cmpi sgt, %add3A_274, %sign3A_282 : i32
      %sign3A_284 = arith.extui %sign3A_283 : i1 to i32
      %sign3A_285 = arith.constant 0 : i32
      %sign3A_286 = arith.cmpi slt, %add3A_274, %sign3A_285 : i32
      %sign3A_287 = arith.extui %sign3A_286 : i1 to i32
      %sign3A_288 = arith.subi %sign3A_284, %sign3A_287 : i32
      %sign3A_289 = arith.constant 0 : i32
      %sign3A_290 = arith.cmpi sgt, %jit3A_280, %sign3A_289 : i32
      %sign3A_291 = arith.extui %sign3A_290 : i1 to i32
      %sign3A_292 = arith.constant 0 : i32
      %sign3A_293 = arith.cmpi slt, %jit3A_280, %sign3A_292 : i32
      %sign3A_294 = arith.extui %sign3A_293 : i1 to i32
      %sign3A_295 = arith.subi %sign3A_291, %sign3A_294 : i32
      %ne3A_296 = arith.cmpi ne, %sign3A_288, %sign3A_295 : i32
      %rem3A_297 = arith.remsi %add3A_274, %jit3A_280 : i32
      %ne3A_298 = arith.constant 0 : i32
      %ne3A_299 = arith.cmpi ne, %rem3A_297, %ne3A_298 : i32
      %and3A_300 = arith.andi %ne3A_296, %ne3A_299 : i1
      %sub3A_301 = arith.constant 1 : i32
      %sub3A_302 = arith.subi %div3A_281, %sub3A_301 : i32
      %select_n3A_303 = arith.select %and3A_300, %sub3A_302, %div3A_281 : i32
      %jit3A_304 = arith.constant 8 : i32
      %eq3A_305 = arith.constant 0 : i32
      %eq3A_306 = arith.cmpi eq, %jit3A_304, %eq3A_305 : i32
      %jit3A_307 = arith.constant 1 : i32
      %select_n3A_308 = arith.select %eq3A_306, %jit3A_307, %jit3A_304 : i32
      %rem3A_309 = arith.remsi %add3A_274, %select_n3A_308 : i32
      %ne3A_310 = arith.constant 0 : i32
      %ne3A_311 = arith.cmpi ne, %rem3A_309, %ne3A_310 : i32
      %lt3A_312 = arith.constant 0 : i32
      %lt3A_313 = arith.cmpi slt, %rem3A_309, %lt3A_312 : i32
      %lt3A_314 = arith.constant 0 : i32
      %lt3A_315 = arith.cmpi slt, %select_n3A_308, %lt3A_314 : i32
      %ne3A_316 = arith.xori %lt3A_313, %lt3A_315 : i1
      %and3A_317 = arith.andi %ne3A_316, %ne3A_311 : i1
      %add3A_318 = arith.addi %rem3A_309, %select_n3A_308 : i32
      %select_n3A_319 = arith.select %and3A_317, %add3A_318, %rem3A_309 : i32
      %add3A_320 = arith.addi %mul3A_32, %select_n3A_303 : i32
      %jit3A_321 = arith.constant 8 : i32
      %div3A_322 = arith.divsi %add3A_320, %jit3A_321 : i32
      %sign3A_323 = arith.constant 0 : i32
      %sign3A_324 = arith.cmpi sgt, %add3A_320, %sign3A_323 : i32
      %sign3A_325 = arith.extui %sign3A_324 : i1 to i32
      %sign3A_326 = arith.constant 0 : i32
      %sign3A_327 = arith.cmpi slt, %add3A_320, %sign3A_326 : i32
      %sign3A_328 = arith.extui %sign3A_327 : i1 to i32
      %sign3A_329 = arith.subi %sign3A_325, %sign3A_328 : i32
      %sign3A_330 = arith.constant 0 : i32
      %sign3A_331 = arith.cmpi sgt, %jit3A_321, %sign3A_330 : i32
      %sign3A_332 = arith.extui %sign3A_331 : i1 to i32
      %sign3A_333 = arith.constant 0 : i32
      %sign3A_334 = arith.cmpi slt, %jit3A_321, %sign3A_333 : i32
      %sign3A_335 = arith.extui %sign3A_334 : i1 to i32
      %sign3A_336 = arith.subi %sign3A_332, %sign3A_335 : i32
      %ne3A_337 = arith.cmpi ne, %sign3A_329, %sign3A_336 : i32
      %rem3A_338 = arith.remsi %add3A_320, %jit3A_321 : i32
      %ne3A_339 = arith.constant 0 : i32
      %ne3A_340 = arith.cmpi ne, %rem3A_338, %ne3A_339 : i32
      %and3A_341 = arith.andi %ne3A_337, %ne3A_340 : i1
      %sub3A_342 = arith.constant 1 : i32
      %sub3A_343 = arith.subi %div3A_322, %sub3A_342 : i32
      %select_n3A_344 = arith.select %and3A_341, %sub3A_343, %div3A_322 : i32
      %sub3A_345 = arith.subi %select_n3A_344, %select_n3A_56 : i32
      %jit3A_346 = arith.constant 8 : i32
      %eq3A_347 = arith.constant 0 : i32
      %eq3A_348 = arith.cmpi eq, %jit3A_346, %eq3A_347 : i32
      %jit3A_349 = arith.constant 1 : i32
      %select_n3A_350 = arith.select %eq3A_348, %jit3A_349, %jit3A_346 : i32
      %rem3A_351 = arith.remsi %add3A_320, %select_n3A_350 : i32
      %ne3A_352 = arith.constant 0 : i32
      %ne3A_353 = arith.cmpi ne, %rem3A_351, %ne3A_352 : i32
      %lt3A_354 = arith.constant 0 : i32
      %lt3A_355 = arith.cmpi slt, %rem3A_351, %lt3A_354 : i32
      %lt3A_356 = arith.constant 0 : i32
      %lt3A_357 = arith.cmpi slt, %select_n3A_350, %lt3A_356 : i32
      %ne3A_358 = arith.xori %lt3A_355, %lt3A_357 : i1
      %and3A_359 = arith.andi %ne3A_358, %ne3A_353 : i1
      %add3A_360 = arith.addi %rem3A_351, %select_n3A_350 : i32
      %select_n3A_361 = arith.select %and3A_359, %add3A_360, %rem3A_351 : i32
      %mul3A_362 = arith.constant 8 : i32
      %mul3A_363 = arith.muli %select_n3A_319, %mul3A_362 : i32
      %add3A_364 = arith.constant 0 : i32
      %add3A_365 = arith.addi %mul3A_363, %add3A_364 : i32
      %mul3A_366 = arith.constant 1001 : i32
      %mul3A_367 = arith.muli %add3A_365, %mul3A_366 : i32
      %broadcast_in_dim3A_368 = vector.broadcast %mul3A_367 : i32 to vector<16xi32>
      %add3A_369 = arith.constant 1 : i32
      %add3A_370 = arith.addi %mul3A_363, %add3A_369 : i32
      %mul3A_371 = arith.constant 1001 : i32
      %mul3A_372 = arith.muli %add3A_370, %mul3A_371 : i32
      %broadcast_in_dim3A_373 = vector.broadcast %mul3A_372 : i32 to vector<16xi32>
      %add3A_374 = arith.constant 2 : i32
      %add3A_375 = arith.addi %mul3A_363, %add3A_374 : i32
      %mul3A_376 = arith.constant 1001 : i32
      %mul3A_377 = arith.muli %add3A_375, %mul3A_376 : i32
      %broadcast_in_dim3A_378 = vector.broadcast %mul3A_377 : i32 to vector<16xi32>
      %add3A_379 = arith.constant 3 : i32
      %add3A_380 = arith.addi %mul3A_363, %add3A_379 : i32
      %mul3A_381 = arith.constant 1001 : i32
      %mul3A_382 = arith.muli %add3A_380, %mul3A_381 : i32
      %broadcast_in_dim3A_383 = vector.broadcast %mul3A_382 : i32 to vector<16xi32>
      %add3A_384 = arith.constant 4 : i32
      %add3A_385 = arith.addi %mul3A_363, %add3A_384 : i32
      %mul3A_386 = arith.constant 1001 : i32
      %mul3A_387 = arith.muli %add3A_385, %mul3A_386 : i32
      %broadcast_in_dim3A_388 = vector.broadcast %mul3A_387 : i32 to vector<16xi32>
      %add3A_389 = arith.constant 5 : i32
      %add3A_390 = arith.addi %mul3A_363, %add3A_389 : i32
      %mul3A_391 = arith.constant 1001 : i32
      %mul3A_392 = arith.muli %add3A_390, %mul3A_391 : i32
      %broadcast_in_dim3A_393 = vector.broadcast %mul3A_392 : i32 to vector<16xi32>
      %add3A_394 = arith.constant 6 : i32
      %add3A_395 = arith.addi %mul3A_363, %add3A_394 : i32
      %mul3A_396 = arith.constant 1001 : i32
      %mul3A_397 = arith.muli %add3A_395, %mul3A_396 : i32
      %broadcast_in_dim3A_398 = vector.broadcast %mul3A_397 : i32 to vector<16xi32>
      %add3A_399 = arith.constant 7 : i32
      %add3A_400 = arith.addi %mul3A_363, %add3A_399 : i32
      %mul3A_401 = arith.constant 1001 : i32
      %mul3A_402 = arith.muli %add3A_400, %mul3A_401 : i32
      %broadcast_in_dim3A_403 = vector.broadcast %mul3A_402 : i32 to vector<16xi32>
      %parallel_loop3A_404 = arith.constant 0 : i32
      %parallel_loop3A_405 = arith.constant 64 : i32
      %parallel_loop3A_406 = arith.constant 1 : i32
      scf.for %parallel_loop3A_458 = %parallel_loop3A_404 to %parallel_loop3A_405 step %parallel_loop3A_406  : i32 {
        %parallel_loop3A_459 = arith.constant 8 : i32
        %parallel_loop3A_460 = arith.divsi %parallel_loop3A_458, %parallel_loop3A_459 : i32
        %parallel_loop3A_461 = arith.constant 0 : i32
        %parallel_loop3A_462 = arith.cmpi sgt, %parallel_loop3A_458, %parallel_loop3A_461 : i32
        %parallel_loop3A_463 = arith.extui %parallel_loop3A_462 : i1 to i32
        %parallel_loop3A_464 = arith.constant 0 : i32
        %parallel_loop3A_465 = arith.cmpi slt, %parallel_loop3A_458, %parallel_loop3A_464 : i32
        %parallel_loop3A_466 = arith.extui %parallel_loop3A_465 : i1 to i32
        %parallel_loop3A_467 = arith.subi %parallel_loop3A_463, %parallel_loop3A_466 : i32
        %parallel_loop3A_468 = arith.constant 0 : i32
        %parallel_loop3A_469 = arith.cmpi sgt, %parallel_loop3A_459, %parallel_loop3A_468 : i32
        %parallel_loop3A_470 = arith.extui %parallel_loop3A_469 : i1 to i32
        %parallel_loop3A_471 = arith.constant 0 : i32
        %parallel_loop3A_472 = arith.cmpi slt, %parallel_loop3A_459, %parallel_loop3A_471 : i32
        %parallel_loop3A_473 = arith.extui %parallel_loop3A_472 : i1 to i32
        %parallel_loop3A_474 = arith.subi %parallel_loop3A_470, %parallel_loop3A_473 : i32
        %parallel_loop3A_475 = arith.cmpi ne, %parallel_loop3A_467, %parallel_loop3A_474 : i32
        %parallel_loop3A_476 = arith.remsi %parallel_loop3A_458, %parallel_loop3A_459 : i32
        %parallel_loop3A_477 = arith.constant 0 : i32
        %parallel_loop3A_478 = arith.cmpi ne, %parallel_loop3A_476, %parallel_loop3A_477 : i32
        %parallel_loop3A_479 = arith.andi %parallel_loop3A_475, %parallel_loop3A_478 : i1
        %parallel_loop3A_480 = arith.constant 1 : i32
        %parallel_loop3A_481 = arith.subi %parallel_loop3A_460, %parallel_loop3A_480 : i32
        %parallel_loop3A_482 = arith.select %parallel_loop3A_479, %parallel_loop3A_481, %parallel_loop3A_460 : i32
        %parallel_loop3A_483 = arith.constant 8 : i32
        %parallel_loop3A_484 = arith.constant 0 : i32
        %parallel_loop3A_485 = arith.cmpi eq, %parallel_loop3A_483, %parallel_loop3A_484 : i32
        %parallel_loop3A_486 = arith.constant 1 : i32
        %parallel_loop3A_487 = arith.select %parallel_loop3A_485, %parallel_loop3A_486, %parallel_loop3A_483 : i32
        %parallel_loop3A_488 = arith.remsi %parallel_loop3A_458, %parallel_loop3A_487 : i32
        %parallel_loop3A_489 = arith.constant 0 : i32
        %parallel_loop3A_490 = arith.cmpi ne, %parallel_loop3A_488, %parallel_loop3A_489 : i32
        %parallel_loop3A_491 = arith.constant 0 : i32
        %parallel_loop3A_492 = arith.cmpi slt, %parallel_loop3A_488, %parallel_loop3A_491 : i32
        %parallel_loop3A_493 = arith.constant 0 : i32
        %parallel_loop3A_494 = arith.cmpi slt, %parallel_loop3A_487, %parallel_loop3A_493 : i32
        %parallel_loop3A_495 = arith.xori %parallel_loop3A_492, %parallel_loop3A_494 : i1
        %parallel_loop3A_496 = arith.andi %parallel_loop3A_495, %parallel_loop3A_490 : i1
        %parallel_loop3A_497 = arith.addi %parallel_loop3A_488, %parallel_loop3A_487 : i32
        %parallel_loop3A_498 = arith.select %parallel_loop3A_496, %parallel_loop3A_497, %parallel_loop3A_488 : i32
        %parallel_loop3A_499 = arith.constant 16 : i32
        %parallel_loop3A_500 = arith.muli %parallel_loop3A_498, %parallel_loop3A_499 : i32
        %parallel_loop3A_501 = arith.index_cast %sub3A_345 : i32 to index
        %parallel_loop3A_502 = arith.index_cast %parallel_loop3A_482 : i32 to index
        %parallel_loop3A_503 = arith.index_cast %select_n3A_361 : i32 to index
        %parallel_loop3A_504 = arith.index_cast %parallel_loop3A_500 : i32 to index
        %parallel_loop3A_505 = tpu.vector_load %arg6[%parallel_loop3A_501, %parallel_loop3A_502, %parallel_loop3A_503, %parallel_loop3A_504] {strides = array<i32>} : memref<4x8x8x128xi32, #tpu.memory_space<vmem>>, vector<16xi32>,
        %parallel_loop3A_506 = arith.addi %parallel_loop3A_505, %broadcast_in_dim3A_368 : vector<16xi32>
        %parallel_loop3A_507 = tpu.vector_load_idx %arg5[%parallel_loop3A_506] : memref<64064xf32, #tpu.memory_space<vmem>>[vector<16xi32>], vector<16xf32>,
        %parallel_loop3A_508 = arith.constant 8 : i32
        %parallel_loop3A_509 = arith.divsi %parallel_loop3A_458, %parallel_loop3A_508 : i32
        %parallel_loop3A_510 = arith.constant 0 : i32
        %parallel_loop3A_511 = arith.cmpi sgt, %parallel_loop3A_458, %parallel_loop3A_510 : i32
        %parallel_loop3A_512 = arith.extui %parallel_loop3A_511 : i1 to i32
        %parallel_loop3A_513 = arith.constant 0 : i32
        %parallel_loop3A_514 = arith.cmpi slt, %parallel_loop3A_458, %parallel_loop3A_513 : i32
        %parallel_loop3A_515 = arith.extui %parallel_loop3A_514 : i1 to i32
        %parallel_loop3A_516 = arith.subi %parallel_loop3A_512, %parallel_loop3A_515 : i32
        %parallel_loop3A_517 = arith.constant 0 : i32
        %parallel_loop3A_518 = arith.cmpi sgt, %parallel_loop3A_508, %parallel_loop3A_517 : i32
        %parallel_loop3A_519 = arith.extui %parallel_loop3A_518 : i1 to i32
        %parallel_loop3A_520 = arith.constant 0 : i32
        %parallel_loop3A_521 = arith.cmpi slt, %parallel_loop3A_508, %parallel_loop3A_520 : i32
        %parallel_loop3A_522 = arith.extui %parallel_loop3A_521 : i1 to i32
        %parallel_loop3A_523 = arith.subi %parallel_loop3A_519, %parallel_loop3A_522 : i32
        %parallel_loop3A_524 = arith.cmpi ne, %parallel_loop3A_516, %parallel_loop3A_523 : i32
        %parallel_loop3A_525 = arith.remsi %parallel_loop3A_458, %parallel_loop3A_508 : i32
        %parallel_loop3A_526 = arith.constant 0 : i32
        %parallel_loop3A_527 = arith.cmpi ne, %parallel_loop3A_525, %parallel_loop3A_526 : i32
        %parallel_loop3A_528 = arith.andi %parallel_loop3A_524, %parallel_loop3A_527 : i1
        %parallel_loop3A_529 = arith.constant 1 : i32
        %parallel_loop3A_530 = arith.subi %parallel_loop3A_509, %parallel_loop3A_529 : i32
        %parallel_loop3A_531 = arith.select %parallel_loop3A_528, %parallel_loop3A_530, %parallel_loop3A_509 : i32
        %parallel_loop3A_532 = arith.constant 8 : i32
        %parallel_loop3A_533 = arith.constant 0 : i32
        %parallel_loop3A_534 = arith.cmpi eq, %parallel_loop3A_532, %parallel_loop3A_533 : i32
        %parallel_loop3A_535 = arith.constant 1 : i32
        %parallel_loop3A_536 = arith.select %parallel_loop3A_534, %parallel_loop3A_535, %parallel_loop3A_532 : i32
        %parallel_loop3A_537 = arith.remsi %parallel_loop3A_458, %parallel_loop3A_536 : i32
        %parallel_loop3A_538 = arith.constant 0 : i32
        %parallel_loop3A_539 = arith.cmpi ne, %parallel_loop3A_537, %parallel_loop3A_538 : i32
        %parallel_loop3A_540 = arith.constant 0 : i32
        %parallel_loop3A_541 = arith.cmpi slt, %parallel_loop3A_537, %parallel_loop3A_540 : i32
        %parallel_loop3A_542 = arith.constant 0 : i32
        %parallel_loop3A_543 = arith.cmpi slt, %parallel_loop3A_536, %parallel_loop3A_542 : i32
        %parallel_loop3A_544 = arith.xori %parallel_loop3A_541, %parallel_loop3A_543 : i1
        %parallel_loop3A_545 = arith.andi %parallel_loop3A_544, %parallel_loop3A_539 : i1
        %parallel_loop3A_546 = arith.addi %parallel_loop3A_537, %parallel_loop3A_536 : i32
        %parallel_loop3A_547 = arith.select %parallel_loop3A_545, %parallel_loop3A_546, %parallel_loop3A_537 : i32
        %parallel_loop3A_548 = arith.constant 16 : i32
        %parallel_loop3A_549 = arith.muli %parallel_loop3A_547, %parallel_loop3A_548 : i32
        %parallel_loop3A_550 = arith.constant 0 : i32
        %parallel_loop3A_551 = arith.index_cast %parallel_loop3A_531 : i32 to index
        %parallel_loop3A_552 = arith.index_cast %parallel_loop3A_550 : i32 to index
        %parallel_loop3A_553 = arith.index_cast %parallel_loop3A_549 : i32 to index
        %parallel_loop3A_554 = tpu.vector_load %arg8[%parallel_loop3A_551, %parallel_loop3A_552, %parallel_loop3A_553] {strides = array<i32>} : memref<8x8x128xf32, #tpu.memory_space<vmem>>, vector<16xf32>,
        tpu.vector_store %arg8[%parallel_loop3A_551, %parallel_loop3A_552, %parallel_loop3A_553], %parallel_loop3A_507 {strides = array<i32>} : memref<8x8x128xf32, #tpu.memory_space<vmem>>, vector<16xf32>,
        %parallel_loop3A_555 = arith.addi %parallel_loop3A_505, %broadcast_in_dim3A_373 : vector<16xi32>
        %parallel_loop3A_556 = tpu.vector_load_idx %arg5[%parallel_loop3A_555] : memref<64064xf32, #tpu.memory_space<vmem>>[vector<16xi32>], vector<16xf32>,
        %parallel_loop3A_557 = arith.constant 8 : i32
        %parallel_loop3A_558 = arith.divsi %parallel_loop3A_458, %parallel_loop3A_557 : i32
        %parallel_loop3A_559 = arith.constant 0 : i32
        %parallel_loop3A_560 = arith.cmpi sgt, %parallel_loop3A_458, %parallel_loop3A_559 : i32
        %parallel_loop3A_561 = arith.extui %parallel_loop3A_560 : i1 to i32
        %parallel_loop3A_562 = arith.constant 0 : i32
        %parallel_loop3A_563 = arith.cmpi slt, %parallel_loop3A_458, %parallel_loop3A_562 : i32
        %parallel_loop3A_564 = arith.extui %parallel_loop3A_563 : i1 to i32
        %parallel_loop3A_565 = arith.subi %parallel_loop3A_561, %parallel_loop3A_564 : i32
        %parallel_loop3A_566 = arith.constant 0 : i32
        %parallel_loop3A_567 = arith.cmpi sgt, %parallel_loop3A_557, %parallel_loop3A_566 : i32
        %parallel_loop3A_568 = arith.extui %parallel_loop3A_567 : i1 to i32
        %parallel_loop3A_569 = arith.constant 0 : i32
        %parallel_loop3A_570 = arith.cmpi slt, %parallel_loop3A_557, %parallel_loop3A_569 : i32
        %parallel_loop3A_571 = arith.extui %parallel_loop3A_570 : i1 to i32
        %parallel_loop3A_572 = arith.subi %parallel_loop3A_568, %parallel_loop3A_571 : i32
        %parallel_loop3A_573 = arith.cmpi ne, %parallel_loop3A_565, %parallel_loop3A_572 : i32
        %parallel_loop3A_574 = arith.remsi %parallel_loop3A_458, %parallel_loop3A_557 : i32
        %parallel_loop3A_575 = arith.constant 0 : i32
        %parallel_loop3A_576 = arith.cmpi ne, %parallel_loop3A_574, %parallel_loop3A_575 : i32
        %parallel_loop3A_577 = arith.andi %parallel_loop3A_573, %parallel_loop3A_576 : i1
        %parallel_loop3A_578 = arith.constant 1 : i32
        %parallel_loop3A_579 = arith.subi %parallel_loop3A_558, %parallel_loop3A_578 : i32
        %parallel_loop3A_580 = arith.select %parallel_loop3A_577, %parallel_loop3A_579, %parallel_loop3A_558 : i32
        %parallel_loop3A_581 = arith.constant 8 : i32
        %parallel_loop3A_582 = arith.constant 0 : i32
        %parallel_loop3A_583 = arith.cmpi eq, %parallel_loop3A_581, %parallel_loop3A_582 : i32
        %parallel_loop3A_584 = arith.constant 1 : i32
        %parallel_loop3A_585 = arith.select %parallel_loop3A_583, %parallel_loop3A_584, %parallel_loop3A_581 : i32
        %parallel_loop3A_586 = arith.remsi %parallel_loop3A_458, %parallel_loop3A_585 : i32
        %parallel_loop3A_587 = arith.constant 0 : i32
        %parallel_loop3A_588 = arith.cmpi ne, %parallel_loop3A_586, %parallel_loop3A_587 : i32
        %parallel_loop3A_589 = arith.constant 0 : i32
        %parallel_loop3A_590 = arith.cmpi slt, %parallel_loop3A_586, %parallel_loop3A_589 : i32
        %parallel_loop3A_591 = arith.constant 0 : i32
        %parallel_loop3A_592 = arith.cmpi slt, %parallel_loop3A_585, %parallel_loop3A_591 : i32
        %parallel_loop3A_593 = arith.xori %parallel_loop3A_590, %parallel_loop3A_592 : i1
        %parallel_loop3A_594 = arith.andi %parallel_loop3A_593, %parallel_loop3A_588 : i1
        %parallel_loop3A_595 = arith.addi %parallel_loop3A_586, %parallel_loop3A_585 : i32
        %parallel_loop3A_596 = arith.select %parallel_loop3A_594, %parallel_loop3A_595, %parallel_loop3A_586 : i32
        %parallel_loop3A_597 = arith.constant 16 : i32
        %parallel_loop3A_598 = arith.muli %parallel_loop3A_596, %parallel_loop3A_597 : i32
        %parallel_loop3A_599 = arith.constant 1 : i32
        %parallel_loop3A_600 = arith.index_cast %parallel_loop3A_580 : i32 to index
        %parallel_loop3A_601 = arith.index_cast %parallel_loop3A_599 : i32 to index
        %parallel_loop3A_602 = arith.index_cast %parallel_loop3A_598 : i32 to index
        %parallel_loop3A_603 = tpu.vector_load %arg8[%parallel_loop3A_600, %parallel_loop3A_601, %parallel_loop3A_602] {strides = array<i32>} : memref<8x8x128xf32, #tpu.memory_space<vmem>>, vector<16xf32>,
        tpu.vector_store %arg8[%parallel_loop3A_600, %parallel_loop3A_601, %parallel_loop3A_602], %parallel_loop3A_556 {strides = array<i32>} : memref<8x8x128xf32, #tpu.memory_space<vmem>>, vector<16xf32>,
        %parallel_loop3A_604 = arith.addi %parallel_loop3A_505, %broadcast_in_dim3A_378 : vector<16xi32>
        %parallel_loop3A_605 = tpu.vector_load_idx %arg5[%parallel_loop3A_604] : memref<64064xf32, #tpu.memory_space<vmem>>[vector<16xi32>], vector<16xf32>,
        %parallel_loop3A_606 = arith.constant 8 : i32
        %parallel_loop3A_607 = arith.divsi %parallel_loop3A_458, %parallel_loop3A_606 : i32
        %parallel_loop3A_608 = arith.constant 0 : i32
        %parallel_loop3A_609 = arith.cmpi sgt, %parallel_loop3A_458, %parallel_loop3A_608 : i32
        %parallel_loop3A_610 = arith.extui %parallel_loop3A_609 : i1 to i32
        %parallel_loop3A_611 = arith.constant 0 : i32
        %parallel_loop3A_612 = arith.cmpi slt, %parallel_loop3A_458, %parallel_loop3A_611 : i32
        %parallel_loop3A_613 = arith.extui %parallel_loop3A_612 : i1 to i32
        %parallel_loop3A_614 = arith.subi %parallel_loop3A_610, %parallel_loop3A_613 : i32
        %parallel_loop3A_615 = arith.constant 0 : i32
        %parallel_loop3A_616 = arith.cmpi sgt, %parallel_loop3A_606, %parallel_loop3A_615 : i32
        %parallel_loop3A_617 = arith.extui %parallel_loop3A_616 : i1 to i32
        %parallel_loop3A_618 = arith.constant 0 : i32
        %parallel_loop3A_619 = arith.cmpi slt, %parallel_loop3A_606, %parallel_loop3A_618 : i32
        %parallel_loop3A_620 = arith.extui %parallel_loop3A_619 : i1 to i32
        %parallel_loop3A_621 = arith.subi %parallel_loop3A_617, %parallel_loop3A_620 : i32
        %parallel_loop3A_622 = arith.cmpi ne, %parallel_loop3A_614, %parallel_loop3A_621 : i32
        %parallel_loop3A_623 = arith.remsi %parallel_loop3A_458, %parallel_loop3A_606 : i32
        %parallel_loop3A_624 = arith.constant 0 : i32
        %parallel_loop3A_625 = arith.cmpi ne, %parallel_loop3A_623, %parallel_loop3A_624 : i32
        %parallel_loop3A_626 = arith.andi %parallel_loop3A_622, %parallel_loop3A_625 : i1
        %parallel_loop3A_627 = arith.constant 1 : i32
        %parallel_loop3A_628 = arith.subi %parallel_loop3A_607, %parallel_loop3A_627 : i32
        %parallel_loop3A_629 = arith.select %parallel_loop3A_626, %parallel_loop3A_628, %parallel_loop3A_607 : i32
        %parallel_loop3A_630 = arith.constant 8 : i32
        %parallel_loop3A_631 = arith.constant 0 : i32
        %parallel_loop3A_632 = arith.cmpi eq, %parallel_loop3A_630, %parallel_loop3A_631 : i32
        %parallel_loop3A_633 = arith.constant 1 : i32
        %parallel_loop3A_634 = arith.select %parallel_loop3A_632, %parallel_loop3A_633, %parallel_loop3A_630 : i32
        %parallel_loop3A_635 = arith.remsi %parallel_loop3A_458, %parallel_loop3A_634 : i32
        %parallel_loop3A_636 = arith.constant 0 : i32
        %parallel_loop3A_637 = arith.cmpi ne, %parallel_loop3A_635, %parallel_loop3A_636 : i32
        %parallel_loop3A_638 = arith.constant 0 : i32
        %parallel_loop3A_639 = arith.cmpi slt, %parallel_loop3A_635, %parallel_loop3A_638 : i32
        %parallel_loop3A_640 = arith.constant 0 : i32
        %parallel_loop3A_641 = arith.cmpi slt, %parallel_loop3A_634, %parallel_loop3A_640 : i32
        %parallel_loop3A_642 = arith.xori %parallel_loop3A_639, %parallel_loop3A_641 : i1
        %parallel_loop3A_643 = arith.andi %parallel_loop3A_642, %parallel_loop3A_637 : i1
        %parallel_loop3A_644 = arith.addi %parallel_loop3A_635, %parallel_loop3A_634 : i32
        %parallel_loop3A_645 = arith.select %parallel_loop3A_643, %parallel_loop3A_644, %parallel_loop3A_635 : i32
        %parallel_loop3A_646 = arith.constant 16 : i32
        %parallel_loop3A_647 = arith.muli %parallel_loop3A_645, %parallel_loop3A_646 : i32
        %parallel_loop3A_648 = arith.constant 2 : i32
        %parallel_loop3A_649 = arith.index_cast %parallel_loop3A_629 : i32 to index
        %parallel_loop3A_650 = arith.index_cast %parallel_loop3A_648 : i32 to index
        %parallel_loop3A_651 = arith.index_cast %parallel_loop3A_647 : i32 to index
        %parallel_loop3A_652 = tpu.vector_load %arg8[%parallel_loop3A_649, %parallel_loop3A_650, %parallel_loop3A_651] {strides = array<i32>} : memref<8x8x128xf32, #tpu.memory_space<vmem>>, vector<16xf32>,
        tpu.vector_store %arg8[%parallel_loop3A_649, %parallel_loop3A_650, %parallel_loop3A_651], %parallel_loop3A_605 {strides = array<i32>} : memref<8x8x128xf32, #tpu.memory_space<vmem>>, vector<16xf32>,
        %parallel_loop3A_653 = arith.addi %parallel_loop3A_505, %broadcast_in_dim3A_383 : vector<16xi32>
        %parallel_loop3A_654 = tpu.vector_load_idx %arg5[%parallel_loop3A_653] : memref<64064xf32, #tpu.memory_space<vmem>>[vector<16xi32>], vector<16xf32>,
        %parallel_loop3A_655 = arith.constant 8 : i32
        %parallel_loop3A_656 = arith.divsi %parallel_loop3A_458, %parallel_loop3A_655 : i32
        %parallel_loop3A_657 = arith.constant 0 : i32
        %parallel_loop3A_658 = arith.cmpi sgt, %parallel_loop3A_458, %parallel_loop3A_657 : i32
        %parallel_loop3A_659 = arith.extui %parallel_loop3A_658 : i1 to i32
        %parallel_loop3A_660 = arith.constant 0 : i32
        %parallel_loop3A_661 = arith.cmpi slt, %parallel_loop3A_458, %parallel_loop3A_660 : i32
        %parallel_loop3A_662 = arith.extui %parallel_loop3A_661 : i1 to i32
        %parallel_loop3A_663 = arith.subi %parallel_loop3A_659, %parallel_loop3A_662 : i32
        %parallel_loop3A_664 = arith.constant 0 : i32
        %parallel_loop3A_665 = arith.cmpi sgt, %parallel_loop3A_655, %parallel_loop3A_664 : i32
        %parallel_loop3A_666 = arith.extui %parallel_loop3A_665 : i1 to i32
        %parallel_loop3A_667 = arith.constant 0 : i32
        %parallel_loop3A_668 = arith.cmpi slt, %parallel_loop3A_655, %parallel_loop3A_667 : i32
        %parallel_loop3A_669 = arith.extui %parallel_loop3A_668 : i1 to i32
        %parallel_loop3A_670 = arith.subi %parallel_loop3A_666, %parallel_loop3A_669 : i32
        %parallel_loop3A_671 = arith.cmpi ne, %parallel_loop3A_663, %parallel_loop3A_670 : i32
        %parallel_loop3A_672 = arith.remsi %parallel_loop3A_458, %parallel_loop3A_655 : i32
        %parallel_loop3A_673 = arith.constant 0 : i32
        %parallel_loop3A_674 = arith.cmpi ne, %parallel_loop3A_672, %parallel_loop3A_673 : i32
        %parallel_loop3A_675 = arith.andi %parallel_loop3A_671, %parallel_loop3A_674 : i1
        %parallel_loop3A_676 = arith.constant 1 : i32
        %parallel_loop3A_677 = arith.subi %parallel_loop3A_656, %parallel_loop3A_676 : i32
        %parallel_loop3A_678 = arith.select %parallel_loop3A_675, %parallel_loop3A_677, %parallel_loop3A_656 : i32
        %parallel_loop3A_679 = arith.constant 8 : i32
        %parallel_loop3A_680 = arith.constant 0 : i32
        %parallel_loop3A_681 = arith.cmpi eq, %parallel_loop3A_679, %parallel_loop3A_680 : i32
        %parallel_loop3A_682 = arith.constant 1 : i32
        %parallel_loop3A_683 = arith.select %parallel_loop3A_681, %parallel_loop3A_682, %parallel_loop3A_679 : i32
        %parallel_loop3A_684 = arith.remsi %parallel_loop3A_458, %parallel_loop3A_683 : i32
        %parallel_loop3A_685 = arith.constant 0 : i32
        %parallel_loop3A_686 = arith.cmpi ne, %parallel_loop3A_684, %parallel_loop3A_685 : i32
        %parallel_loop3A_687 = arith.constant 0 : i32
        %parallel_loop3A_688 = arith.cmpi slt, %parallel_loop3A_684, %parallel_loop3A_687 : i32
        %parallel_loop3A_689 = arith.constant 0 : i32
        %parallel_loop3A_690 = arith.cmpi slt, %parallel_loop3A_683, %parallel_loop3A_689 : i32
        %parallel_loop3A_691 = arith.xori %parallel_loop3A_688, %parallel_loop3A_690 : i1
        %parallel_loop3A_692 = arith.andi %parallel_loop3A_691, %parallel_loop3A_686 : i1
        %parallel_loop3A_693 = arith.addi %parallel_loop3A_684, %parallel_loop3A_683 : i32
        %parallel_loop3A_694 = arith.select %parallel_loop3A_692, %parallel_loop3A_693, %parallel_loop3A_684 : i32
        %parallel_loop3A_695 = arith.constant 16 : i32
        %parallel_loop3A_696 = arith.muli %parallel_loop3A_694, %parallel_loop3A_695 : i32
        %parallel_loop3A_697 = arith.constant 3 : i32
        %parallel_loop3A_698 = arith.index_cast %parallel_loop3A_678 : i32 to index
        %parallel_loop3A_699 = arith.index_cast %parallel_loop3A_697 : i32 to index
        %parallel_loop3A_700 = arith.index_cast %parallel_loop3A_696 : i32 to index
        %parallel_loop3A_701 = tpu.vector_load %arg8[%parallel_loop3A_698, %parallel_loop3A_699, %parallel_loop3A_700] {strides = array<i32>} : memref<8x8x128xf32, #tpu.memory_space<vmem>>, vector<16xf32>,
        tpu.vector_store %arg8[%parallel_loop3A_698, %parallel_loop3A_699, %parallel_loop3A_700], %parallel_loop3A_654 {strides = array<i32>} : memref<8x8x128xf32, #tpu.memory_space<vmem>>, vector<16xf32>,
        %parallel_loop3A_702 = arith.addi %parallel_loop3A_505, %broadcast_in_dim3A_388 : vector<16xi32>
        %parallel_loop3A_703 = tpu.vector_load_idx %arg5[%parallel_loop3A_702] : memref<64064xf32, #tpu.memory_space<vmem>>[vector<16xi32>], vector<16xf32>,
        %parallel_loop3A_704 = arith.constant 8 : i32
        %parallel_loop3A_705 = arith.divsi %parallel_loop3A_458, %parallel_loop3A_704 : i32
        %parallel_loop3A_706 = arith.constant 0 : i32
        %parallel_loop3A_707 = arith.cmpi sgt, %parallel_loop3A_458, %parallel_loop3A_706 : i32
        %parallel_loop3A_708 = arith.extui %parallel_loop3A_707 : i1 to i32
        %parallel_loop3A_709 = arith.constant 0 : i32
        %parallel_loop3A_710 = arith.cmpi slt, %parallel_loop3A_458, %parallel_loop3A_709 : i32
        %parallel_loop3A_711 = arith.extui %parallel_loop3A_710 : i1 to i32
        %parallel_loop3A_712 = arith.subi %parallel_loop3A_708, %parallel_loop3A_711 : i32
        %parallel_loop3A_713 = arith.constant 0 : i32
        %parallel_loop3A_714 = arith.cmpi sgt, %parallel_loop3A_704, %parallel_loop3A_713 : i32
        %parallel_loop3A_715 = arith.extui %parallel_loop3A_714 : i1 to i32
        %parallel_loop3A_716 = arith.constant 0 : i32
        %parallel_loop3A_717 = arith.cmpi slt, %parallel_loop3A_704, %parallel_loop3A_716 : i32
        %parallel_loop3A_718 = arith.extui %parallel_loop3A_717 : i1 to i32
        %parallel_loop3A_719 = arith.subi %parallel_loop3A_715, %parallel_loop3A_718 : i32
        %parallel_loop3A_720 = arith.cmpi ne, %parallel_loop3A_712, %parallel_loop3A_719 : i32
        %parallel_loop3A_721 = arith.remsi %parallel_loop3A_458, %parallel_loop3A_704 : i32
        %parallel_loop3A_722 = arith.constant 0 : i32
        %parallel_loop3A_723 = arith.cmpi ne, %parallel_loop3A_721, %parallel_loop3A_722 : i32
        %parallel_loop3A_724 = arith.andi %parallel_loop3A_720, %parallel_loop3A_723 : i1
        %parallel_loop3A_725 = arith.constant 1 : i32
        %parallel_loop3A_726 = arith.subi %parallel_loop3A_705, %parallel_loop3A_725 : i32
        %parallel_loop3A_727 = arith.select %parallel_loop3A_724, %parallel_loop3A_726, %parallel_loop3A_705 : i32
        %parallel_loop3A_728 = arith.constant 8 : i32
        %parallel_loop3A_729 = arith.constant 0 : i32
        %parallel_loop3A_730 = arith.cmpi eq, %parallel_loop3A_728, %parallel_loop3A_729 : i32
        %parallel_loop3A_731 = arith.constant 1 : i32
        %parallel_loop3A_732 = arith.select %parallel_loop3A_730, %parallel_loop3A_731, %parallel_loop3A_728 : i32
        %parallel_loop3A_733 = arith.remsi %parallel_loop3A_458, %parallel_loop3A_732 : i32
        %parallel_loop3A_734 = arith.constant 0 : i32
        %parallel_loop3A_735 = arith.cmpi ne, %parallel_loop3A_733, %parallel_loop3A_734 : i32
        %parallel_loop3A_736 = arith.constant 0 : i32
        %parallel_loop3A_737 = arith.cmpi slt, %parallel_loop3A_733, %parallel_loop3A_736 : i32
        %parallel_loop3A_738 = arith.constant 0 : i32
        %parallel_loop3A_739 = arith.cmpi slt, %parallel_loop3A_732, %parallel_loop3A_738 : i32
        %parallel_loop3A_740 = arith.xori %parallel_loop3A_737, %parallel_loop3A_739 : i1
        %parallel_loop3A_741 = arith.andi %parallel_loop3A_740, %parallel_loop3A_735 : i1
        %parallel_loop3A_742 = arith.addi %parallel_loop3A_733, %parallel_loop3A_732 : i32
        %parallel_loop3A_743 = arith.select %parallel_loop3A_741, %parallel_loop3A_742, %parallel_loop3A_733 : i32
        %parallel_loop3A_744 = arith.constant 16 : i32
        %parallel_loop3A_745 = arith.muli %parallel_loop3A_743, %parallel_loop3A_744 : i32
        %parallel_loop3A_746 = arith.constant 4 : i32
        %parallel_loop3A_747 = arith.index_cast %parallel_loop3A_727 : i32 to index
        %parallel_loop3A_748 = arith.index_cast %parallel_loop3A_746 : i32 to index
        %parallel_loop3A_749 = arith.index_cast %parallel_loop3A_745 : i32 to index
        %parallel_loop3A_750 = tpu.vector_load %arg8[%parallel_loop3A_747, %parallel_loop3A_748, %parallel_loop3A_749] {strides = array<i32>} : memref<8x8x128xf32, #tpu.memory_space<vmem>>, vector<16xf32>,
        tpu.vector_store %arg8[%parallel_loop3A_747, %parallel_loop3A_748, %parallel_loop3A_749], %parallel_loop3A_703 {strides = array<i32>} : memref<8x8x128xf32, #tpu.memory_space<vmem>>, vector<16xf32>,
        %parallel_loop3A_751 = arith.addi %parallel_loop3A_505, %broadcast_in_dim3A_393 : vector<16xi32>
        %parallel_loop3A_752 = tpu.vector_load_idx %arg5[%parallel_loop3A_751] : memref<64064xf32, #tpu.memory_space<vmem>>[vector<16xi32>], vector<16xf32>,
        %parallel_loop3A_753 = arith.constant 8 : i32
        %parallel_loop3A_754 = arith.divsi %parallel_loop3A_458, %parallel_loop3A_753 : i32
        %parallel_loop3A_755 = arith.constant 0 : i32
        %parallel_loop3A_756 = arith.cmpi sgt, %parallel_loop3A_458, %parallel_loop3A_755 : i32
        %parallel_loop3A_757 = arith.extui %parallel_loop3A_756 : i1 to i32
        %parallel_loop3A_758 = arith.constant 0 : i32
        %parallel_loop3A_759 = arith.cmpi slt, %parallel_loop3A_458, %parallel_loop3A_758 : i32
        %parallel_loop3A_760 = arith.extui %parallel_loop3A_759 : i1 to i32
        %parallel_loop3A_761 = arith.subi %parallel_loop3A_757, %parallel_loop3A_760 : i32
        %parallel_loop3A_762 = arith.constant 0 : i32
        %parallel_loop3A_763 = arith.cmpi sgt, %parallel_loop3A_753, %parallel_loop3A_762 : i32
        %parallel_loop3A_764 = arith.extui %parallel_loop3A_763 : i1 to i32
        %parallel_loop3A_765 = arith.constant 0 : i32
        %parallel_loop3A_766 = arith.cmpi slt, %parallel_loop3A_753, %parallel_loop3A_765 : i32
        %parallel_loop3A_767 = arith.extui %parallel_loop3A_766 : i1 to i32
        %parallel_loop3A_768 = arith.subi %parallel_loop3A_764, %parallel_loop3A_767 : i32
        %parallel_loop3A_769 = arith.cmpi ne, %parallel_loop3A_761, %parallel_loop3A_768 : i32
        %parallel_loop3A_770 = arith.remsi %parallel_loop3A_458, %parallel_loop3A_753 : i32
        %parallel_loop3A_771 = arith.constant 0 : i32
        %parallel_loop3A_772 = arith.cmpi ne, %parallel_loop3A_770, %parallel_loop3A_771 : i32
        %parallel_loop3A_773 = arith.andi %parallel_loop3A_769, %parallel_loop3A_772 : i1
        %parallel_loop3A_774 = arith.constant 1 : i32
        %parallel_loop3A_775 = arith.subi %parallel_loop3A_754, %parallel_loop3A_774 : i32
        %parallel_loop3A_776 = arith.select %parallel_loop3A_773, %parallel_loop3A_775, %parallel_loop3A_754 : i32
        %parallel_loop3A_777 = arith.constant 8 : i32
        %parallel_loop3A_778 = arith.constant 0 : i32
        %parallel_loop3A_779 = arith.cmpi eq, %parallel_loop3A_777, %parallel_loop3A_778 : i32
        %parallel_loop3A_780 = arith.constant 1 : i32
        %parallel_loop3A_781 = arith.select %parallel_loop3A_779, %parallel_loop3A_780, %parallel_loop3A_777 : i32
        %parallel_loop3A_782 = arith.remsi %parallel_loop3A_458, %parallel_loop3A_781 : i32
        %parallel_loop3A_783 = arith.constant 0 : i32
        %parallel_loop3A_784 = arith.cmpi ne, %parallel_loop3A_782, %parallel_loop3A_783 : i32
        %parallel_loop3A_785 = arith.constant 0 : i32
        %parallel_loop3A_786 = arith.cmpi slt, %parallel_loop3A_782, %parallel_loop3A_785 : i32
        %parallel_loop3A_787 = arith.constant 0 : i32
        %parallel_loop3A_788 = arith.cmpi slt, %parallel_loop3A_781, %parallel_loop3A_787 : i32
        %parallel_loop3A_789 = arith.xori %parallel_loop3A_786, %parallel_loop3A_788 : i1
        %parallel_loop3A_790 = arith.andi %parallel_loop3A_789, %parallel_loop3A_784 : i1
        %parallel_loop3A_791 = arith.addi %parallel_loop3A_782, %parallel_loop3A_781 : i32
        %parallel_loop3A_792 = arith.select %parallel_loop3A_790, %parallel_loop3A_791, %parallel_loop3A_782 : i32
        %parallel_loop3A_793 = arith.constant 16 : i32
        %parallel_loop3A_794 = arith.muli %parallel_loop3A_792, %parallel_loop3A_793 : i32
        %parallel_loop3A_795 = arith.constant 5 : i32
        %parallel_loop3A_796 = arith.index_cast %parallel_loop3A_776 : i32 to index
        %parallel_loop3A_797 = arith.index_cast %parallel_loop3A_795 : i32 to index
        %parallel_loop3A_798 = arith.index_cast %parallel_loop3A_794 : i32 to index
        %parallel_loop3A_799 = tpu.vector_load %arg8[%parallel_loop3A_796, %parallel_loop3A_797, %parallel_loop3A_798] {strides = array<i32>} : memref<8x8x128xf32, #tpu.memory_space<vmem>>, vector<16xf32>,
        tpu.vector_store %arg8[%parallel_loop3A_796, %parallel_loop3A_797, %parallel_loop3A_798], %parallel_loop3A_752 {strides = array<i32>} : memref<8x8x128xf32, #tpu.memory_space<vmem>>, vector<16xf32>,
        %parallel_loop3A_800 = arith.addi %parallel_loop3A_505, %broadcast_in_dim3A_398 : vector<16xi32>
        %parallel_loop3A_801 = tpu.vector_load_idx %arg5[%parallel_loop3A_800] : memref<64064xf32, #tpu.memory_space<vmem>>[vector<16xi32>], vector<16xf32>,
        %parallel_loop3A_802 = arith.constant 8 : i32
        %parallel_loop3A_803 = arith.divsi %parallel_loop3A_458, %parallel_loop3A_802 : i32
        %parallel_loop3A_804 = arith.constant 0 : i32
        %parallel_loop3A_805 = arith.cmpi sgt, %parallel_loop3A_458, %parallel_loop3A_804 : i32
        %parallel_loop3A_806 = arith.extui %parallel_loop3A_805 : i1 to i32
        %parallel_loop3A_807 = arith.constant 0 : i32
        %parallel_loop3A_808 = arith.cmpi slt, %parallel_loop3A_458, %parallel_loop3A_807 : i32
        %parallel_loop3A_809 = arith.extui %parallel_loop3A_808 : i1 to i32
        %parallel_loop3A_810 = arith.subi %parallel_loop3A_806, %parallel_loop3A_809 : i32
        %parallel_loop3A_811 = arith.constant 0 : i32
        %parallel_loop3A_812 = arith.cmpi sgt, %parallel_loop3A_802, %parallel_loop3A_811 : i32
        %parallel_loop3A_813 = arith.extui %parallel_loop3A_812 : i1 to i32
        %parallel_loop3A_814 = arith.constant 0 : i32
        %parallel_loop3A_815 = arith.cmpi slt, %parallel_loop3A_802, %parallel_loop3A_814 : i32
        %parallel_loop3A_816 = arith.extui %parallel_loop3A_815 : i1 to i32
        %parallel_loop3A_817 = arith.subi %parallel_loop3A_813, %parallel_loop3A_816 : i32
        %parallel_loop3A_818 = arith.cmpi ne, %parallel_loop3A_810, %parallel_loop3A_817 : i32
        %parallel_loop3A_819 = arith.remsi %parallel_loop3A_458, %parallel_loop3A_802 : i32
        %parallel_loop3A_820 = arith.constant 0 : i32
        %parallel_loop3A_821 = arith.cmpi ne, %parallel_loop3A_819, %parallel_loop3A_820 : i32
        %parallel_loop3A_822 = arith.andi %parallel_loop3A_818, %parallel_loop3A_821 : i1
        %parallel_loop3A_823 = arith.constant 1 : i32
        %parallel_loop3A_824 = arith.subi %parallel_loop3A_803, %parallel_loop3A_823 : i32
        %parallel_loop3A_825 = arith.select %parallel_loop3A_822, %parallel_loop3A_824, %parallel_loop3A_803 : i32
        %parallel_loop3A_826 = arith.constant 8 : i32
        %parallel_loop3A_827 = arith.constant 0 : i32
        %parallel_loop3A_828 = arith.cmpi eq, %parallel_loop3A_826, %parallel_loop3A_827 : i32
        %parallel_loop3A_829 = arith.constant 1 : i32
        %parallel_loop3A_830 = arith.select %parallel_loop3A_828, %parallel_loop3A_829, %parallel_loop3A_826 : i32
        %parallel_loop3A_831 = arith.remsi %parallel_loop3A_458, %parallel_loop3A_830 : i32
        %parallel_loop3A_832 = arith.constant 0 : i32
        %parallel_loop3A_833 = arith.cmpi ne, %parallel_loop3A_831, %parallel_loop3A_832 : i32
        %parallel_loop3A_834 = arith.constant 0 : i32
        %parallel_loop3A_835 = arith.cmpi slt, %parallel_loop3A_831, %parallel_loop3A_834 : i32
        %parallel_loop3A_836 = arith.constant 0 : i32
        %parallel_loop3A_837 = arith.cmpi slt, %parallel_loop3A_830, %parallel_loop3A_836 : i32
        %parallel_loop3A_838 = arith.xori %parallel_loop3A_835, %parallel_loop3A_837 : i1
        %parallel_loop3A_839 = arith.andi %parallel_loop3A_838, %parallel_loop3A_833 : i1
        %parallel_loop3A_840 = arith.addi %parallel_loop3A_831, %parallel_loop3A_830 : i32
        %parallel_loop3A_841 = arith.select %parallel_loop3A_839, %parallel_loop3A_840, %parallel_loop3A_831 : i32
        %parallel_loop3A_842 = arith.constant 16 : i32
        %parallel_loop3A_843 = arith.muli %parallel_loop3A_841, %parallel_loop3A_842 : i32
        %parallel_loop3A_844 = arith.constant 6 : i32
        %parallel_loop3A_845 = arith.index_cast %parallel_loop3A_825 : i32 to index
        %parallel_loop3A_846 = arith.index_cast %parallel_loop3A_844 : i32 to index
        %parallel_loop3A_847 = arith.index_cast %parallel_loop3A_843 : i32 to index
        %parallel_loop3A_848 = tpu.vector_load %arg8[%parallel_loop3A_845, %parallel_loop3A_846, %parallel_loop3A_847] {strides = array<i32>} : memref<8x8x128xf32, #tpu.memory_space<vmem>>, vector<16xf32>,
        tpu.vector_store %arg8[%parallel_loop3A_845, %parallel_loop3A_846, %parallel_loop3A_847], %parallel_loop3A_801 {strides = array<i32>} : memref<8x8x128xf32, #tpu.memory_space<vmem>>, vector<16xf32>,
        %parallel_loop3A_849 = arith.addi %parallel_loop3A_505, %broadcast_in_dim3A_403 : vector<16xi32>
        %parallel_loop3A_850 = tpu.vector_load_idx %arg5[%parallel_loop3A_849] : memref<64064xf32, #tpu.memory_space<vmem>>[vector<16xi32>], vector<16xf32>,
        %parallel_loop3A_851 = arith.constant 8 : i32
        %parallel_loop3A_852 = arith.divsi %parallel_loop3A_458, %parallel_loop3A_851 : i32
        %parallel_loop3A_853 = arith.constant 0 : i32
        %parallel_loop3A_854 = arith.cmpi sgt, %parallel_loop3A_458, %parallel_loop3A_853 : i32
        %parallel_loop3A_855 = arith.extui %parallel_loop3A_854 : i1 to i32
        %parallel_loop3A_856 = arith.constant 0 : i32
        %parallel_loop3A_857 = arith.cmpi slt, %parallel_loop3A_458, %parallel_loop3A_856 : i32
        %parallel_loop3A_858 = arith.extui %parallel_loop3A_857 : i1 to i32
        %parallel_loop3A_859 = arith.subi %parallel_loop3A_855, %parallel_loop3A_858 : i32
        %parallel_loop3A_860 = arith.constant 0 : i32
        %parallel_loop3A_861 = arith.cmpi sgt, %parallel_loop3A_851, %parallel_loop3A_860 : i32
        %parallel_loop3A_862 = arith.extui %parallel_loop3A_861 : i1 to i32
        %parallel_loop3A_863 = arith.constant 0 : i32
        %parallel_loop3A_864 = arith.cmpi slt, %parallel_loop3A_851, %parallel_loop3A_863 : i32
        %parallel_loop3A_865 = arith.extui %parallel_loop3A_864 : i1 to i32
        %parallel_loop3A_866 = arith.subi %parallel_loop3A_862, %parallel_loop3A_865 : i32
        %parallel_loop3A_867 = arith.cmpi ne, %parallel_loop3A_859, %parallel_loop3A_866 : i32
        %parallel_loop3A_868 = arith.remsi %parallel_loop3A_458, %parallel_loop3A_851 : i32
        %parallel_loop3A_869 = arith.constant 0 : i32
        %parallel_loop3A_870 = arith.cmpi ne, %parallel_loop3A_868, %parallel_loop3A_869 : i32
        %parallel_loop3A_871 = arith.andi %parallel_loop3A_867, %parallel_loop3A_870 : i1
        %parallel_loop3A_872 = arith.constant 1 : i32
        %parallel_loop3A_873 = arith.subi %parallel_loop3A_852, %parallel_loop3A_872 : i32
        %parallel_loop3A_874 = arith.select %parallel_loop3A_871, %parallel_loop3A_873, %parallel_loop3A_852 : i32
        %parallel_loop3A_875 = arith.constant 8 : i32
        %parallel_loop3A_876 = arith.constant 0 : i32
        %parallel_loop3A_877 = arith.cmpi eq, %parallel_loop3A_875, %parallel_loop3A_876 : i32
        %parallel_loop3A_878 = arith.constant 1 : i32
        %parallel_loop3A_879 = arith.select %parallel_loop3A_877, %parallel_loop3A_878, %parallel_loop3A_875 : i32
        %parallel_loop3A_880 = arith.remsi %parallel_loop3A_458, %parallel_loop3A_879 : i32
        %parallel_loop3A_881 = arith.constant 0 : i32
        %parallel_loop3A_882 = arith.cmpi ne, %parallel_loop3A_880, %parallel_loop3A_881 : i32
        %parallel_loop3A_883 = arith.constant 0 : i32
        %parallel_loop3A_884 = arith.cmpi slt, %parallel_loop3A_880, %parallel_loop3A_883 : i32
        %parallel_loop3A_885 = arith.constant 0 : i32
        %parallel_loop3A_886 = arith.cmpi slt, %parallel_loop3A_879, %parallel_loop3A_885 : i32
        %parallel_loop3A_887 = arith.xori %parallel_loop3A_884, %parallel_loop3A_886 : i1
        %parallel_loop3A_888 = arith.andi %parallel_loop3A_887, %parallel_loop3A_882 : i1
        %parallel_loop3A_889 = arith.addi %parallel_loop3A_880, %parallel_loop3A_879 : i32
        %parallel_loop3A_890 = arith.select %parallel_loop3A_888, %parallel_loop3A_889, %parallel_loop3A_880 : i32
        %parallel_loop3A_891 = arith.constant 16 : i32
        %parallel_loop3A_892 = arith.muli %parallel_loop3A_890, %parallel_loop3A_891 : i32
        %parallel_loop3A_893 = arith.constant 7 : i32
        %parallel_loop3A_894 = arith.index_cast %parallel_loop3A_874 : i32 to index
        %parallel_loop3A_895 = arith.index_cast %parallel_loop3A_893 : i32 to index
        %parallel_loop3A_896 = arith.index_cast %parallel_loop3A_892 : i32 to index
        %parallel_loop3A_897 = tpu.vector_load %arg8[%parallel_loop3A_894, %parallel_loop3A_895, %parallel_loop3A_896] {strides = array<i32>} : memref<8x8x128xf32, #tpu.memory_space<vmem>>, vector<16xf32>,
        tpu.vector_store %arg8[%parallel_loop3A_894, %parallel_loop3A_895, %parallel_loop3A_896], %parallel_loop3A_850 {strides = array<i32>} : memref<8x8x128xf32, #tpu.memory_space<vmem>>, vector<16xf32>,
      } {sc.loop_unroll_factor = 8 : i64, sc.parallel_access}
      %jit3A_407 = arith.constant 8 : i32
      %div3A_408 = arith.divsi %add3A_274, %jit3A_407 : i32
      %sign3A_409 = arith.constant 0 : i32
      %sign3A_410 = arith.cmpi sgt, %add3A_274, %sign3A_409 : i32
      %sign3A_411 = arith.extui %sign3A_410 : i1 to i32
      %sign3A_412 = arith.constant 0 : i32
      %sign3A_413 = arith.cmpi slt, %add3A_274, %sign3A_412 : i32
      %sign3A_414 = arith.extui %sign3A_413 : i1 to i32
      %sign3A_415 = arith.subi %sign3A_411, %sign3A_414 : i32
      %sign3A_416 = arith.constant 0 : i32
      %sign3A_417 = arith.cmpi sgt, %jit3A_407, %sign3A_416 : i32
      %sign3A_418 = arith.extui %sign3A_417 : i1 to i32
      %sign3A_419 = arith.constant 0 : i32
      %sign3A_420 = arith.cmpi slt, %jit3A_407, %sign3A_419 : i32
      %sign3A_421 = arith.extui %sign3A_420 : i1 to i32
      %sign3A_422 = arith.subi %sign3A_418, %sign3A_421 : i32
      %ne3A_423 = arith.cmpi ne, %sign3A_415, %sign3A_422 : i32
      %rem3A_424 = arith.remsi %add3A_274, %jit3A_407 : i32
      %ne3A_425 = arith.constant 0 : i32
      %ne3A_426 = arith.cmpi ne, %rem3A_424, %ne3A_425 : i32
      %and3A_427 = arith.andi %ne3A_423, %ne3A_426 : i1
      %sub3A_428 = arith.constant 1 : i32
      %sub3A_429 = arith.subi %div3A_408, %sub3A_428 : i32
      %select_n3A_430 = arith.select %and3A_427, %sub3A_429, %div3A_408 : i32
      %add3A_431 = arith.addi %mul3A_32, %select_n3A_430 : i32
      %jit3A_432 = arith.constant 8 : i32
      %eq3A_433 = arith.constant 0 : i32
      %eq3A_434 = arith.cmpi eq, %jit3A_432, %eq3A_433 : i32
      %jit3A_435 = arith.constant 1 : i32
      %select_n3A_436 = arith.select %eq3A_434, %jit3A_435, %jit3A_432 : i32
      %rem3A_437 = arith.remsi %add3A_274, %select_n3A_436 : i32
      %ne3A_438 = arith.constant 0 : i32
      %ne3A_439 = arith.cmpi ne, %rem3A_437, %ne3A_438 : i32
      %lt3A_440 = arith.constant 0 : i32
      %lt3A_441 = arith.cmpi slt, %rem3A_437, %lt3A_440 : i32
      %lt3A_442 = arith.constant 0 : i32
      %lt3A_443 = arith.cmpi slt, %select_n3A_436, %lt3A_442 : i32
      %ne3A_444 = arith.xori %lt3A_441, %lt3A_443 : i1
      %and3A_445 = arith.andi %ne3A_444, %ne3A_439 : i1
      %add3A_446 = arith.addi %rem3A_437, %select_n3A_436 : i32
      %select_n3A_447 = arith.select %and3A_445, %add3A_446, %rem3A_437 : i32
      %mul3A_448 = arith.constant 8 : i32
      %mul3A_449 = arith.muli %select_n3A_30, %mul3A_448 : i32
      %dma_start3A_450 = arith.constant 0 : i32
      %dma_start3A_451 = arith.constant 0 : i32
      %dma_start3A_452 = tpu.memref_slice %arg4[%add3A_431, %select_n3A_447, %mul3A_449, %dma_start3A_450, %dma_start3A_451] : memref<200x8x32x8x128xf32, #tpu.memory_space<hbm>> -> memref<1x1x8x8x128xf32, #tpu.memory_space<hbm>>
      %dma_start3A_453 = tpu.memref_squeeze %dma_start3A_452 : memref<1x1x8x8x128xf32, #tpu.memory_space<hbm>> -> memref<8x8x128xf32, #tpu.memory_space<hbm>>
      %dma_start3A_454 = arith.constant 0 : i32
      %dma_start3A_455 = arith.constant 0 : i32
      %dma_start3A_456 = tpu.memref_slice %arg4[%add3A_431, %select_n3A_447, %mul3A_449, %dma_start3A_454, %dma_start3A_455] : memref<200x8x32x8x128xf32, #tpu.memory_space<hbm>> -> memref<1x1x8x8x128xf32, #tpu.memory_space<hbm>>
      %dma_start3A_457 = tpu.memref_squeeze %dma_start3A_456 : memref<1x1x8x8x128xf32, #tpu.memory_space<hbm>> -> memref<8x8x128xf32, #tpu.memory_space<hbm>>
      tpu.enqueue_dma source(%arg8 : memref<8x8x128xf32, #tpu.memory_space<vmem>>) target(%dma_start3A_457 : memref<8x8x128xf32, #tpu.memory_space<hbm>>) target_semaphore(%arg10 : memref<!tpu.dma_semaphore, #tpu.memory_space<semaphore_mem>>)
    }
    %scan3A_63 = arith.constant 100 : i32
    %add3A_64 = arith.constant 24 : i32
    %add3A_65 = arith.addi %mul3A_32, %add3A_64 : i32
    %mul3A_66 = arith.constant 8 : i32
    %mul3A_67 = arith.muli %select_n3A_30, %mul3A_66 : i32
    %dma_wait3A = arith.constant 6 : i32
    %dma_wait3A_68 = arith.constant 0 : i32
    %dma_wait3A_69 = arith.constant 0 : i32
    %dma_wait3A_70 = tpu.memref_slice %arg4[%add3A_65, %dma_wait3A, %mul3A_67, %dma_wait3A_68, %dma_wait3A_69] : memref<200x8x32x8x128xf32, #tpu.memory_space<hbm>> -> memref<1x1x8x8x128xf32, #tpu.memory_space<hbm>>
    %dma_wait3A_71 = tpu.memref_squeeze %dma_wait3A_70 : memref<1x1x8x8x128xf32, #tpu.memory_space<hbm>> -> memref<8x8x128xf32, #tpu.memory_space<hbm>>
    %dma_wait3A_72 = arith.constant 0 : i32
    %dma_wait3A_73 = arith.constant 0 : i32
    %dma_wait3A_74 = tpu.memref_slice %arg4[%add3A_65, %dma_wait3A, %mul3A_67, %dma_wait3A_72, %dma_wait3A_73] : memref<200x8x32x8x128xf32, #tpu.memory_space<hbm>> -> memref<1x1x8x8x128xf32, #tpu.memory_space<hbm>>
    %dma_wait3A_75 = tpu.memref_squeeze %dma_wait3A_74 : memref<1x1x8x8x128xf32, #tpu.memory_space<hbm>> -> memref<8x8x128xf32, #tpu.memory_space<hbm>>
    tpu.wait_dma2 semaphore(%arg9 : memref<!tpu.dma_semaphore, #tpu.memory_space<semaphore_mem>>) src(%arg7 : memref<8x8x128xf32, #tpu.memory_space<vmem>>) dst(%dma_wait3A_75 : memref<8x8x128xf32, #tpu.memory_space<hbm>>)
    %add3A_76 = arith.constant 24 : i32
    %add3A_77 = arith.addi %mul3A_32, %add3A_76 : i32
    %mul3A_78 = arith.constant 8 : i32
    %mul3A_79 = arith.muli %select_n3A_30, %mul3A_78 : i32
    %dma_wait3A_80 = arith.constant 7 : i32
    %dma_wait3A_81 = arith.constant 0 : i32
    %dma_wait3A_82 = arith.constant 0 : i32
    %dma_wait3A_83 = tpu.memref_slice %arg4[%add3A_77, %dma_wait3A_80, %mul3A_79, %dma_wait3A_81, %dma_wait3A_82] : memref<200x8x32x8x128xf32, #tpu.memory_space<hbm>> -> memref<1x1x8x8x128xf32, #tpu.memory_space<hbm>>
    %dma_wait3A_84 = tpu.memref_squeeze %dma_wait3A_83 : memref<1x1x8x8x128xf32, #tpu.memory_space<hbm>> -> memref<8x8x128xf32, #tpu.memory_space<hbm>>
    %dma_wait3A_85 = arith.constant 0 : i32
    %dma_wait3A_86 = arith.constant 0 : i32
    %dma_wait3A_87 = tpu.memref_slice %arg4[%add3A_77, %dma_wait3A_80, %mul3A_79, %dma_wait3A_85, %dma_wait3A_86] : memref<200x8x32x8x128xf32, #tpu.memory_space<hbm>> -> memref<1x1x8x8x128xf32, #tpu.memory_space<hbm>>
    %dma_wait3A_88 = tpu.memref_squeeze %dma_wait3A_87 : memref<1x1x8x8x128xf32, #tpu.memory_space<hbm>> -> memref<8x8x128xf32, #tpu.memory_space<hbm>>
    tpu.wait_dma2 semaphore(%arg10 : memref<!tpu.dma_semaphore, #tpu.memory_space<semaphore_mem>>) src(%arg8 : memref<8x8x128xf32, #tpu.memory_space<vmem>>) dst(%dma_wait3A_88 : memref<8x8x128xf32, #tpu.memory_space<hbm>>)
    return
  }
}

</mosaic_0001>

<sc_bundles>
// kernel: kernel.3.cloned.1.call-start
scs
__scs_entry_jumppad:
0x0: {  	(pc) =	sbr.rel $0x88, $3  }
0x1: {  	(tag) =	ssettag $0x0;
	lr =	simm.s32 $0x1  }
0x2: {  	[smem:$0x3F9F] =	sst lr;
	_ =	strace $0xD0000000  }
0x3: {  	_ = 	snop  }
0x4: {  	_ = 	snop  }
0x5: {  	_ = 	snop  }
0x6: {  	_ = 	snop  }
0x7: {  	_ = 	snop  }
__scs_overlays_trampoline_lowered:
0x8: {  	[smem:$0x3FAE] =	sst s0  }
0x9: {  	[smem:$0x3FAF] =	sst s1  }
0xa: {  	[smem:$0x3FB0] =	sst s2  }
0xb: {  	[smem:$0x3FB1] =	sst s3  }
0xc: {  	[smem:$0x3FB2] =	sst s4  }
0xd: {  	[smem:$0x3FB3] =	sst s5  }
0xe: {  	[smem:$0x3FB4] =	sst s6  }
0xf: {  	[smem:$0x3FB5] =	sst s7  }
0x10: {  	[smem:$0x3FB6] =	sst s8  }
0x11: {  	[smem:$0x3FB7] =	sst s9;
	s0 =	simm.s32 @!p0 $0x0  }
0x12: {  	s1 =	sld [smem:$0x3F9D];
	s0 =	simm.s32 @p0 $0x1  }
0x13: {  	[smem:$0x3FB8] =	sst s0;
	s0 =	simm.s32 @!p1 $0x0  }
0x14: {  	s2 =	sld [smem:$0x3F9C];
	s0 =	simm.s32 @p1 $0x1  }
0x15: {  	[smem:$0x3FB9] =	sst s0;
	s0 =	simm.s32 @!p2 $0x0  }
0x16: {  	s3 =	sld [smem:$0x3FDB];
	s0 =	simm.s32 @p2 $0x1  }
0x17: {  	s4 =	simm.s32 $0x1BF5;
	[smem:$0x3FBB] =	sst s0  }
0x18: {  	s0 =	sld [smem:$0x3F9E];
	_ =	swait.ge [sflag:s4], $0x0  }
0x19: {  	s7 =	sld [smem:$0x3F9F]  }
0x1a: {  	s8 =	sadd.s32 $0xFFFFE003, lr  }
0x1b: {  	s9 =	sadd.s32 $0xFFFFFEF7, lr;
	s5 =	simm.s32 $0xFFFFFFFF;
	p2 =	slt.u32 s8, $0xFFFFF086  }
0x1c: {  	p1 =	slt.u32 s9, $0xF7A;
	s5 =	simm.s32 @!p2 $0x0  }
0x1d: {  	s5 =	simm.s32 @p1 $0x1;
	p0 =	seq.s32 s7, s2  }
0x1e: {  	s7 =	smul.u32 @!p0 $0xF7A, s2;
	p2 =	seq.s32 @!p0 s5, $0x0  }
0x1f: {  	s9 =	smul.u32 $0xF7A, s1;
	s8 =	simm.s32 @!p0 $0x1BF5;
	p2 =	por !p2, p0  }
0x20: {  	[sflag:s8] =	ssyncset.s32 @!p0 $0xFFFFF086;
	s6 =	sadd.s32 @!p0 s3, s7;
	s7 =	simm.s32 @!p0 $0x108  }
0x21: {  	s3 =	sadd.s32 s3, s9;
	s6 =	sadd.s32 @!p0 $0x88, s6;
	s7 =	simm.s32 @p2 $0x1082  }
0x22: {  	[simem:s7], [sflag:s8] =	dma.local @!p0 [hbm:s6], $0xF7A  }
0x23: {  	s9 =	sor.u32 $0xD0000000, s2;
	s6 =	simm.s32 $0x108;
	_ =	swait.ge @!p0 [sflag:s8], $0x0  }
0x24: {  	s3 =	sadd.s32 $0x88, s3;
	s6 =	simm.s32 @!p1 $0x1082;
	[sflag:s4] =	ssyncset.s32 $0xFFFFF086  }
0x25: {  	[simem:s6], [sflag:s4] =	dma.local [hbm:s3], $0xF7A  }
0x26: {  	[smem:$0x3F9F] =	sst s1;
	(tag) =	ssettag s2;
	_ =	strace s9  }
0x27: {  	s1 =	sld [smem:$0x3FAF]  }
0x28: {  	s2 =	sld [smem:$0x3FB0]  }
0x29: {  	s4 =	sld [smem:$0x3FB2]  }
0x2a: {  	p0 =	seq.s32 s5, $0x0;
	s5 =	sld [smem:$0x3FB3]  }
0x2b: {  	s6 =	sld [smem:$0x3FB4]  }
0x2c: {  	s7 =	sld [smem:$0x3FB5]  }
0x2d: {  	s3 =	simm.s32 $0x108;
	s8 =	sld [smem:$0x3FB6]  }
0x2e: {  	s3 =	simm.s32 @!p0 $0x1082;
	s9 =	sld [smem:$0x3FB7]  }
0x2f: {  	lr =	sadd.s32 s0, s3;
	s0 =	sld [smem:$0x3FAE]  }
0x30: {  	s3 =	sld [smem:$0x3FB1]  }
0x31: {  	[smem:$0x3FBA] =	sst s10  }
0x32: {  	s10 =	sld [smem:$0x3FB8];
	_ =	sdelay $0x3  }
0x33: {  	p0 =	seq.s32 s10, $0x1;
	s10 =	sld [smem:$0x3FBA];
	_ =	sdelay $0x3  }
0x34: {  	[smem:$0x3FBA] =	sst s10  }
0x35: {  	s10 =	sld [smem:$0x3FB9];
	_ =	sdelay $0x3  }
0x36: {  	p1 =	seq.s32 s10, $0x1;
	s10 =	sld [smem:$0x3FBA];
	_ =	sdelay $0x3  }
0x37: {  	[smem:$0x3FBA] =	sst s10  }
0x38: {  	s10 =	sld [smem:$0x3FBB]  }
0x39: {  	_ = 	snop;
	(pc) =	sbr.ind lr, $3  }
0x3a: {  	_ = 	snop  }
0x3b: {  	_ = 	snop  }
0x3c: {  	p2 =	seq.s32 s10, $0x1;
	s10 =	sld [smem:$0x3FBA]  }
0x3d: {  	_ =	shalt  }
0x3e: {  	_ =	shalt  }
0x3f: {  	_ =	shalt  }
0x40: {  	_ =	shalt  }
0x41: {  	_ =	shalt  }
0x42: {  	_ =	shalt  }
0x43: {  	_ =	shalt  }
0x44: {  	_ =	shalt  }
0x45: {  	_ =	shalt  }
0x46: {  	_ =	shalt  }
0x47: {  	_ =	shalt  }
0x48: {  	_ =	shalt  }
0x49: {  	_ =	shalt  }
0x4a: {  	_ =	shalt  }
0x4b: {  	_ =	shalt  }
0x4c: {  	_ =	shalt  }
0x4d: {  	_ =	shalt  }
0x4e: {  	_ =	shalt  }
0x4f: {  	_ =	shalt  }
0x50: {  	_ =	shalt  }
0x51: {  	_ =	shalt  }
0x52: {  	_ =	shalt  }
0x53: {  	_ =	shalt  }
0x54: {  	_ =	shalt  }
0x55: {  	_ =	shalt  }
0x56: {  	_ =	shalt  }
0x57: {  	_ =	shalt  }
0x58: {  	_ =	shalt  }
0x59: {  	_ =	shalt  }
0x5a: {  	_ =	shalt  }
0x5b: {  	_ =	shalt  }
0x5c: {  	_ =	shalt  }
0x5d: {  	_ =	shalt  }
0x5e: {  	_ =	shalt  }
0x5f: {  	_ =	shalt  }
0x60: {  	_ =	shalt  }
0x61: {  	_ =	shalt  }
0x62: {  	_ =	shalt  }
0x63: {  	_ =	shalt  }
0x64: {  	_ =	shalt  }
0x65: {  	_ =	shalt  }
0x66: {  	_ =	shalt  }
0x67: {  	_ =	shalt  }
0x68: {  	_ =	shalt  }
0x69: {  	_ =	shalt  }
0x6a: {  	_ =	shalt  }
0x6b: {  	_ =	shalt  }
0x6c: {  	_ =	shalt  }
0x6d: {  	_ =	shalt  }
0x6e: {  	_ =	shalt  }
0x6f: {  	_ =	shalt  }
0x70: {  	_ =	shalt  }
0x71: {  	_ =	shalt  }
0x72: {  	_ =	shalt  }
0x73: {  	_ =	shalt  }
0x74: {  	_ =	shalt  }
0x75: {  	_ =	shalt  }
0x76: {  	_ =	shalt  }
0x77: {  	_ =	shalt  }
0x78: {  	_ =	shalt  }
0x79: {  	_ =	shalt  }
0x7a: {  	_ =	shalt  }
0x7b: {  	_ =	shalt  }
0x7c: {  	_ =	shalt  }
0x7d: {  	_ =	shalt  }
0x7e: {  	_ =	shalt  }
0x7f: {  	_ =	shalt  }
0x80: {  	_ =	shalt  }
0x81: {  	_ =	shalt  }
0x82: {  	_ =	shalt  }
0x83: {  	_ =	shalt  }
0x84: {  	_ =	shalt  }
0x85: {  	_ =	shalt  }
0x86: {  	_ =	shalt  }
0x87: {  	_ =	shalt  }
.Lfunc_end0:
.L_simem_size_0:
called_computation_lowered:
.L_overlay_start_0:
0x88: {  	s2 =	sld [smem:$0x3FD9]  }
0x89: {  	s3 =	sld [smem:$0x3FFE];
	_ =	sdelay $0x1  }
0x8a: {  	s1 =	srdreg.scid  }
0x8b: {  	s0 =	sand.u32 $0x1, s1  }
0x8c: {  	s17 =	sshll.u32 s0, $0xA;
	s2 =	sadd.s32 s3, s2  }
0x8d: {  	s2 =	sadd.s32 s2, s17  }
0x8e: {  	[smem:$0x3FC6] =	sst s2  }
0x8f: {  	_ = 	snop  }
0x90: {  	s2 =	sld [smem:$0x3FC8]  }
0x91: {  	s18 =	sld [smem:$0x3FD0];
	(tm) =	ssettm $0x1  }
0x92: {  	s4 =	sld [smem:$0x3FFB];
	_ =	sdelay $0x3  }
0x93: {  	_ =	strace s4  }
0x94: {  	s4 =	sld [smem:$0x3FFC];
	_ =	sdelay $0x3  }
0x95: {  	_ =	strace s4  }
0x96: {  	s4 =	sld [smem:$0x3FFD];
	_ =	sdelay $0x3  }
0x97: {  	_ =	strace s4  }
0x98: {  	_ =	strace $0x8FFFFFFF  }
0x99: {  	s19 =	sld [smem:$0x3FDB];
	_ =	sdelay $0x1  }
0x9a: {  	s5 =	simm.s32 $_scs_section_size  }
0x9b: {  	s6 =	simm.s32 $_size__tile_overlayer_lowered;
	s7 =	simm.s32 $_tile_overlayer_lowered  }
0x9c: {  	s22 =	simm.s32 $0x1BFF;
	s21 =	sshll.u32 s7, $0x1;
	s4 =	sadd.s32 s5, s19  }
0x9d: {  	s8 =	simm.s32 $0x0;
	s20 =	sshll.u32 s6, $0x1;
	s6 =	sadd.s32 s21, s4  }
0x9e: {  	[timem:s8], [sflag:s22] =	dma.local [hbm:s6], s20  }
0x9f: {  	_ =	swait.ge [sflag:s22], s20  }
0xa0: {  	s5 =	ssub.s32 $0x0, s20;
	[sflag:s22] =	ssyncset.done $0x0  }
0xa1: {  	[sflag:s22] =	ssyncadd.s32 s5;
	_ =	sdelay $0x1  }
0xa2: {  	s23 =	simm.s32 $0x1B8B  }
0xa3: {  	_ =	swait.ge [sflag:s23], $0x1  }
0xa4: {  	[sflag:s23] =	ssyncset.done $0x0  }
0xa5: {  	s25 =	simm.s32 $0x1B8E;
	s24 =	sld [smem:$0x3FFE];
	[sflag:s23] =	ssyncadd.s32 $0xFFFFFFFF  }
0xa6: {  	s26 =	simm.s32 $execute0_lowered;
	[smem:$0x3FD2] =	sst s25  }
0xa7: {  	s6 =	sshll.u32 s26, $0x1;
	_ =	strace $0x80000046;
	[dreg:$0x1] =	wrdreg $0xFFFFFFFF  }
0xa8: {  	s28 =	simm.s32 $_size_execute0_lowered;
	s4 =	sadd.s32 s4, s6;
	[dreg:$0x0] =	wrdreg $0x0  }
0xa9: {  	s6 =	sshll.u32 s28, $0x1;
	[dreg:$0x2] =	wrdreg s4  }
0xaa: {  	[dreg:$0x3] =	wrdreg s6  }
0xab: {  	[dreg:$0x4] =	wrdreg $0xC0  }
0xac: {  	_ =	task [dreg:s8], $0x5FFFF  }
0xad: {  	[dreg:$0x1] =	wrdreg $0xFFFFFFFF  }
0xae: {  	[dreg:$0x0] =	wrdreg $0x60  }
0xaf: {  	[dreg:$0x2] =	wrdreg s24  }
0xb0: {  	[dreg:$0x3] =	wrdreg s2  }
0xb1: {  	[dreg:$0x4] =	wrdreg s18  }
0xb2: {  	[dreg:$0x5] =	wrdreg $0x9  }
0xb3: {  	_ =	task.clear_ibuf [dreg:s8], $0x6FFFF;
	_ =	strace $0x90000046  }
0xb4: {  	s29 =	simm.s32 $0x9;
	_ =	strace $0x80000048  }
0xb5: {  	_ =	swait.ge [sflag:s29], $0x1  }
0xb6: {  	[sflag:s29] =	ssyncadd.s32 $0xFFFFFFFF  }
0xb7: {  	_ =	strace $0x90000048  }
0xb8: {  	_ =	sfence  }
0xb9: {  	s30 =	sld [smem:$0x0];
	_ =	sdelay $0x2  }
0xba: {  	s31 =	sshll.u32 s1, $0xD;
	s1 =	sshrl.u32 s1, $0x2  }
0xbb: {  	s3 =	sand.u32 $0x4000, s31;
	s1 =	sadd.s32 s1, s30  }
0xbc: {  	s0 =	sor.u32 s3, s0;
	s1 =	sshll.u32 s1, $0x11  }
0xbd: {  	s0 =	sor.u32 s1, s0  }
0xbe: {  	s0 =	sadd.s32 $0x8F2B, s0  }
0xbf: {  	[sflag:s0] =	ssyncadd.remote.s32 $0x1  }
0xc0: {  	_ =	sfence.sel $0xFFFF  }
0xc1: {  	[dreg:$0x0] =	wrdreg $0xFFFFFFFF;
	(pc) =	sbr.abs _section_cstart, $3  }
0xc2: {  	[dreg:$0x1] =	wrdreg $0xFFFFFFFF  }
0xc3: {  	_ =	task.clear_ibuf [dreg:s8], $0x2FFFF;
	_ =	strace $0x9FFFFFFF  }
0xc4: {  	(tm) =	ssettm $0x7FFFFFFF  }
0xc5: {  	_ =	shalt  }
tec
execute0_lowered:
.L_overlay_start_1:
0x0: {  	(tag) =	ssettag $0x1  }
0x1: {  	s6 =	rddreg [dreg:$0x0]  }
0x2: {  	s7 =	rddreg [dreg:$0x1]  }
0x3: {  	s2 =	rddreg [dreg:$0x2];
	s1 =	stileid.u32  }
0x4: {  	s0 =	rddreg [dreg:$0x3];
	s5 =	srdreg.scid  }
0x5: {  	s4 =	simm.s32 $0x0;
	s13 =	simm.s32 $0x8000;
	s14 =	simm.s32 $0xFA40  }
0x6: {  	s15 =	simm.s32 $0x17A40;
	s16 =	simm.s32 $0x19A40;
	s17 =	simm.s32 $0x1  }
0x7: {  	s18 =	simm.s32 $0x2;
	s19 =	simm.s32 $0x0;
	s10 =	sshrl.u32 s1, $0x1  }
0x8: {  	s8 =	sshll.u32 s1, $0x1;
	s9 =	sand.u32 $0x1, s5;
	[smem:$0x7FF] =	sst s4  }
0x9: {  	s6 =	sadd.s32 $0x400, s6;
	s3 =	smul.u32 $0x19, s10;
	s29 =	sand.u32 $0x2, s8  }
0xa: {  	_ =	strace $0x80000047;
	s5 =	sor.u32 s9, s29;
	s9 =	ssub.s32 $0x2, s9  }
0xb: {  	s10 =	smul.u32 $0xC80, s10;
	s30 =	sshll.u32 s3, $0xC;
	s12 =	sshrl.u32 s9, $0x1  }
0xc: {  	s5 =	sshll.u32 s5, $0xD;
	s8 =	sand.u32 $0xF8000, s30;
	s9 =	ssub.s32 s9, s12  }
0xd: {  	s12 =	simm.s32 $0x2000;
	s11 =	sor.u32 s5, s8;
	s8 =	ssub.s32 $0x100, s8  }
0xe: {  	s11 =	sshrl.u32 s11, $0x3;
	s31 =	sshra.s32 s8, $0x2;
	s8 =	smax.u32 s9, $0x1  }
0xf: {  	s7 =	sadd.s32 s7, s11;
	s9 =	sadd.s32 $0xFA40, s31;
	s11 =	simm.s32 $0x3  }
.LBB2_1:
0x10: {  	[tilespmem:s4], [sflag:$0x3] =	stream.linear.gather [hbm4b:s6+s4], $0xFA40, $0x38;
	[tilespmem:$0x1BA40] =	vst v63  }
0x11: {  	_ =	swait.ge [sflag:s11], $0xFA40  }
0x12: {  	[sflag:s11] =	ssyncset.done $0x0  }
0x13: {  	[sflag:s11] =	ssyncadd.s32 $0xFFFF05C0  }
0x14: {  	[tilespmem:s14], [sflag:$0x3] =	stream.strided.gather [hbm4b:s7+s12], $0x8000, s13, s12, $0x38;
	[tilespmem:$0x1BA40] =	vst v63  }
0x15: {  	_ =	swait.ge [sflag:s11], $0x8000  }
0x16: {  	[sflag:s11] =	ssyncset.done $0x0  }
0x17: {  	s20 =	simm.s32 $0x0;
	[sflag:s11] =	ssyncadd.s32 $0xFFFF8000  }
.LBB2_2:
0x18: {  	s26 =	sshrl.u32 s20, $0x2  }
0x19: {  	s21 =	sshll.u32 s26, $0x7  }
0x1a: {  	s22 =	sadd.s32 s26, s3;
	s21 =	sadd.s32 s21, s10  }
0x1b: {  	p0 =	seq.s32 s20, $0x0;
	s22 =	sshll.u32 s22, $0xC;
	s21 =	sshll.u32 s21, $0x2  }
0x1c: {  	s23 =	simm.s32 @!p0 $0x1;
	s22 =	sand.u32 $0xFFFF8000, s22;
	s21 =	sand.u32 $0xE00, s21  }
0x1d: {  	_ =	swait.ge @!p0 [sflag:s23], $0x2000;
	s21 =	sor.u32 s21, s22  }
0x1e: {  	[sflag:s23] =	ssyncset.done @!p0 $0x0;
	s21 =	sshrl.u32 s21, $0x2  }
0x1f: {  	[sflag:s23] =	ssyncadd.s32 @!p0 $0xFFFFE000;
	s22 =	sadd.s32 s21, s9  }
0x20: {  	s25 =	sshll.u32 s20, $0x1;
	v15 =	vld [tilespmem:s22+$0x30]  }
0x21: {  	s23 =	sand.u32 $0x6, s25;
	v13 =	vld [tilespmem:s22+$0xFFFFFFD0]  }
0x22: {  	s21 =	smul.u32 $0x1F48, s23;
	v12 =	vld [tilespmem:s22+$0xFFFFFFE0]  }
0x23: {  	v11 =	vld [tilespmem:s22+$0xFFFFFFF0]  }
0x24: {  	v10 =	vld [tilespmem:s22+$0x0];
	v0 =	vmov s21  }
0x25: {  	v8 =	vld [tilespmem:s22+$0x10];
	v1 =	vadd.s32 v0, v15  }
0x26: {  	v14 =	vld [tilespmem:s22+$0xFFFFFFC0];
	v2 =	vadd.s32 v0, v13  }
0x27: {  	v9 =	vld [tilespmem:s22+$0x20];
	v3 =	vadd.s32 v0, v12  }
0x28: {  	v4 =	vadd.s32 v0, v11  }
0x29: {  	v5 =	vadd.s32 v0, v10  }
0x2a: {  	v6 =	vadd.s32 v0, v8;
	v7 =	vld.idx.msk [tilespmem:v1+s4+$0x0], $0xffff  }
0x2b: {  	s24 =	sadd.s32 $0x3E9, s21;
	v18 =	vadd.s32 v0, v14;
	v16 =	vld.idx.msk [tilespmem:v2+s4+$0x0], $0xffff  }
0x2c: {  	v1 =	vmov s24;
	v2 =	vadd.s32 v0, v9;
	v3 =	vld.idx.msk [tilespmem:v3+s4+$0x0], $0xffff  }
0x2d: {  	v4 =	vld.idx.msk [tilespmem:v4+s4+$0x0], $0xffff;
	v17 =	vadd.s32 v1, v15  }
0x2e: {  	v5 =	vld.idx.msk [tilespmem:v5+s4+$0x0], $0xffff;
	s24 =	simm.s32 $0x17C40;
	v19 =	vadd.s32 v1, v13  }
0x2f: {  	v6 =	vld.idx.msk [tilespmem:v6+s4+$0x0], $0xffff;
	v20 =	vadd.s32 v1, v12;
	[tilespmem:s24+$0xFFFFFE70] =	vst v7  }
0x30: {  	v21 =	vadd.s32 v1, v11;
	[tilespmem:s24+$0xFFFFFE10] =	vst v16;
	v16 =	vld.idx.msk [tilespmem:v18+s4+$0x0], $0xffff  }
0x31: {  	v23 =	vadd.s32 v1, v8;
	v22 =	vld.idx.msk [tilespmem:v2+s4+$0x0], $0xffff;
	[tilespmem:s24+$0xFFFFFE20] =	vst v3  }
0x32: {  	v7 =	vadd.s32 v1, v10;
	[tilespmem:s24+$0xFFFFFE30] =	vst v4;
	v17 =	vld.idx.msk [tilespmem:v17+s4+$0x0], $0xffff  }
0x33: {  	s25 =	sadd.s32 $0x7D2, s21;
	[tilespmem:s24+$0xFFFFFE40] =	vst v5;
	v18 =	vld.idx.msk [tilespmem:v19+s4+$0x0], $0xffff;
	v19 =	vadd.s32 v1, v14  }
0x34: {  	v2 =	vmov s25;
	[tilespmem:s24+$0xFFFFFE50] =	vst v6;
	v4 =	vld.idx.msk [tilespmem:v20+s4+$0x0], $0xffff;
	v20 =	vadd.s32 v1, v9  }
0x35: {  	v3 =	vadd.s32 v2, v15;
	v5 =	vld.idx.msk [tilespmem:v21+s4+$0x0], $0xffff;
	[tilespmem:s24+$0xFFFFFE00] =	vst v16  }
0x36: {  	v47 =	vadd.s32 v2, v13;
	v23 =	vld.idx.msk [tilespmem:v23+s4+$0x0], $0xffff;
	[tilespmem:s24+$0xFFFFFE60] =	vst v22  }
0x37: {  	v6 =	vld.idx.msk [tilespmem:v7+s4+$0x0], $0xffff;
	v7 =	vadd.s32 v2, v12;
	[tilespmem:s24+$0xFFFFFEF0] =	vst v17  }
0x38: {  	v17 =	vadd.s32 v2, v11;
	v19 =	vld.idx.msk [tilespmem:v19+s4+$0x0], $0xffff;
	[tilespmem:s24+$0xFFFFFE90] =	vst v18  }
0x39: {  	v24 =	vadd.s32 v2, v10;
	v18 =	vld.idx.msk [tilespmem:v20+s4+$0x0], $0xffff;
	[tilespmem:s24+$0xFFFFFEA0] =	vst v4  }
0x3a: {  	s30 =	sadd.s32 $0xBBB, s21;
	v25 =	vadd.s32 v2, v8;
	[tilespmem:s24+$0xFFFFFEB0] =	vst v5;
	v16 =	vld.idx.msk [tilespmem:v3+s4+$0x0], $0xffff  }
0x3b: {  	v48 =	vadd.s32 v2, v14;
	[tilespmem:s24+$0xFFFFFED0] =	vst v23;
	v3 =	vmov s30;
	v21 =	vld.idx.msk [tilespmem:v47+s4+$0x0], $0xffff  }
0x3c: {  	v20 =	vadd.s32 v3, v15;
	v5 =	vld.idx.msk [tilespmem:v7+s4+$0x0], $0xffff;
	[tilespmem:s24+$0xFFFFFEC0] =	vst v6  }
0x3d: {  	v7 =	vadd.s32 v2, v9;
	v6 =	vld.idx.msk [tilespmem:v17+s4+$0x0], $0xffff;
	[tilespmem:s24+$0xFFFFFE80] =	vst v19  }
0x3e: {  	v17 =	vadd.s32 v3, v13;
	v24 =	vld.idx.msk [tilespmem:v24+s4+$0x0], $0xffff;
	[tilespmem:s24+$0xFFFFFEE0] =	vst v18  }
0x3f: {  	v18 =	vld.idx.msk [tilespmem:v25+s4+$0x0], $0xffff;
	[tilespmem:s24+$0xFFFFFF70] =	vst v16;
	v16 =	vadd.s32 v3, v12  }
0x40: {  	v51 =	vadd.s32 v3, v10;
	v22 =	vld.idx.msk [tilespmem:v48+s4+$0x0], $0xffff;
	[tilespmem:s24+$0xFFFFFF10] =	vst v21  }
0x41: {  	s31 =	sadd.s32 $0xFA4, s21;
	v19 =	vld.idx.msk [tilespmem:v20+s4+$0x0], $0xffff;
	v20 =	vadd.s32 v3, v11;
	[tilespmem:s24+$0xFFFFFF20] =	vst v5  }
0x42: {  	v4 =	vmov s31;
	v50 =	vadd.s32 v3, v14;
	v7 =	vld.idx.msk [tilespmem:v7+s4+$0x0], $0xffff;
	[tilespmem:s24+$0xFFFFFF30] =	vst v6  }
0x43: {  	v49 =	vadd.s32 v4, v15;
	v17 =	vld.idx.msk [tilespmem:v17+s4+$0x0], $0xffff;
	[tilespmem:s24+$0xFFFFFF40] =	vst v24  }
0x44: {  	v26 =	vadd.s32 v3, v8;
	[tilespmem:s24+$0xFFFFFF50] =	vst v18;
	v6 =	vld.idx.msk [tilespmem:v16+s4+$0x0], $0xffff  }
0x45: {  	v16 =	vadd.s32 v3, v9;
	[tilespmem:s24+$0xFFFFFF00] =	vst v22;
	v18 =	vld.idx.msk [tilespmem:v51+s4+$0x0], $0xffff  }
0x46: {  	v20 =	vld.idx.msk [tilespmem:v20+s4+$0x0], $0xffff;
	[tilespmem:s24+$0xFFFFFFF0] =	vst v19;
	v19 =	vadd.s32 v4, v13  }
0x47: {  	v53 =	vadd.s32 v4, v12;
	v54 =	vld.idx.msk [tilespmem:v50+s4+$0x0], $0xffff  }
0x48: {  	s30 =	sadd.s32 $0x138D, s21;
	v56 =	vadd.s32 v4, v14;
	v52 =	vld.idx.msk [tilespmem:v49+s4+$0x0], $0xffff;
	[tilespmem:s24+$0xFFFFFF60] =	vst v7  }
0x49: {  	v57 =	vadd.s32 v4, v11;
	v5 =	vmov s30;
	v7 =	vld.idx.msk [tilespmem:v26+s4+$0x0], $0xffff;
	[tilespmem:s24+$0xFFFFFF90] =	vst v17  }
0x4a: {  	v55 =	vadd.s32 v5, v15;
	v16 =	vld.idx.msk [tilespmem:v16+s4+$0x0], $0xffff;
	[tilespmem:s24+$0xFFFFFFA0] =	vst v6  }
0x4b: {  	v17 =	vadd.s32 v4, v10;
	[tilespmem:s24+$0xFFFFFFC0] =	vst v18;
	v19 =	vld.idx.msk [tilespmem:v19+s4+$0x0], $0xffff  }
0x4c: {  	v27 =	vadd.s32 v4, v8;
	v23 =	vld.idx.msk [tilespmem:v53+s4+$0x0], $0xffff;
	[tilespmem:s24+$0xFFFFFF80] =	vst v54  }
0x4d: {  	v58 =	vadd.s32 v4, v9;
	[tilespmem:s24+$0xFFFFFFB0] =	vst v20;
	v20 =	vld.idx.msk [tilespmem:v56+s4+$0x0], $0xffff  }
0x4e: {  	v59 =	vadd.s32 v5, v13;
	[tilespmem:s24+$0x70] =	vst v52;
	v18 =	vld.idx.msk [tilespmem:v57+s4+$0x0], $0xffff  }
0x4f: {  	s31 =	sadd.s32 $0x1776, s21;
	v28 =	vadd.s32 v5, v12;
	v21 =	vld.idx.msk [tilespmem:v55+s4+$0x0], $0xffff;
	[tilespmem:s24+$0xFFFFFFD0] =	vst v7  }
0x50: {  	v61 =	vadd.s32 v5, v14;
	v6 =	vmov s31;
	v17 =	vld.idx.msk [tilespmem:v17+s4+$0x0], $0xffff;
	[tilespmem:s24+$0xFFFFFFE0] =	vst v16  }
0x51: {  	v60 =	vadd.s32 v6, v15;
	v16 =	vld.idx.msk [tilespmem:v27+s4+$0x0], $0xffff;
	[tilespmem:s24+$0x10] =	vst v19  }
0x52: {  	v62 =	vadd.s32 v5, v11;
	v19 =	vld.idx.msk [tilespmem:v58+s4+$0x0], $0xffff;
	[tilespmem:s24+$0x20] =	vst v23  }
0x53: {  	v63 =	vadd.s32 v5, v10;
	v24 =	vld.idx.msk [tilespmem:v59+s4+$0x0], $0xffff;
	[tilespmem:s24+$0x0] =	vst v20  }
0x54: {  	v30 =	vadd.s32 v5, v8;
	[tilespmem:s24+$0x30] =	vst v18;
	v18 =	vld.idx.msk [tilespmem:v28+s4+$0x0], $0xffff  }
0x55: {  	v31 =	vadd.s32 v5, v9;
	[tilespmem:s24+$0xF0] =	vst v21;
	v32 =	vld.idx.msk [tilespmem:v61+s4+$0x0], $0xffff  }
0x56: {  	v34 =	vadd.s32 v6, v13;
	v20 =	vld.idx.msk [tilespmem:v60+s4+$0x0], $0xffff;
	[tilespmem:s24+$0x40] =	vst v17  }
0x57: {  	s21 =	sadd.s32 $0x1B5F, s21;
	v33 =	vadd.s32 v6, v14;
	v17 =	vld.idx.msk [tilespmem:v62+s4+$0x0], $0xffff;
	[tilespmem:s24+$0x50] =	vst v16  }
0x58: {  	v35 =	vadd.s32 v6, v12;
	v7 =	vmov s21;
	v16 =	vld.idx.msk [tilespmem:v63+s4+$0x0], $0xffff;
	[tilespmem:s24+$0x60] =	vst v19  }
0x59: {  	v15 =	vadd.s32 v7, v15;
	v19 =	vld.idx.msk [tilespmem:v30+s4+$0x0], $0xffff;
	[tilespmem:s24+$0x90] =	vst v24  }
0x5a: {  	v36 =	vadd.s32 v6, v11;
	v25 =	vld.idx.msk [tilespmem:v31+s4+$0x0], $0xffff;
	[tilespmem:s24+$0xA0] =	vst v18  }
0x5b: {  	v39 =	vadd.s32 v6, v9;
	[tilespmem:s24+$0x80] =	vst v32;
	v18 =	vld.idx.msk [tilespmem:v34+s4+$0x0], $0xffff  }
0x5c: {  	[tilespmem:s24+$0x170] =	vst v20;
	v20 =	vadd.s32 v6, v10;
	v38 =	vld.idx.msk [tilespmem:v33+s4+$0x0], $0xffff  }
0x5d: {  	v13 =	vadd.s32 v7, v13;
	[tilespmem:s24+$0xB0] =	vst v17;
	v17 =	vld.idx.msk [tilespmem:v35+s4+$0x0], $0xffff  }
0x5e: {  	v37 =	vld.idx.msk [tilespmem:v15+s4+$0x0], $0xffff;
	[tilespmem:s24+$0xC0] =	vst v16  }
0x5f: {  	v16 =	vld.idx.msk [tilespmem:v36+s4+$0x0], $0xffff;
	[tilespmem:s24+$0xE0] =	vst v25  }
0x60: {  	v15 =	vadd.s32 v6, v8;
	[tilespmem:s24+$0xD0] =	vst v19;
	v40 =	vld.idx.msk [tilespmem:v39+s4+$0x0], $0xffff  }
0x61: {  	v14 =	vadd.s32 v7, v14;
	[tilespmem:s24+$0x110] =	vst v18;
	v19 =	vld.idx.msk [tilespmem:v20+s4+$0x0], $0xffff  }
0x62: {  	s21 =	sadd.s32 $0x400, s22;
	v12 =	vadd.s32 v7, v12;
	v18 =	vld.idx.msk [tilespmem:v13+s4+$0x0], $0xffff  }
0x63: {  	[tilespmem:s24+$0x120] =	vst v17;
	v17 =	vld [tilespmem:s21+$0x30]  }
0x64: {  	v13 =	vld [tilespmem:s21+$0xFFFFFFF0]  }
0x65: {  	[tilespmem:s24+$0x100] =	vst v38;
	v20 =	vld.idx.msk [tilespmem:v15+s4+$0x0], $0xffff  }
0x66: {  	v41 =	vld.idx.msk [tilespmem:v14+s4+$0x0], $0xffff  }
0x67: {  	v11 =	vadd.s32 v7, v11;
	v42 =	vld.idx.msk [tilespmem:v12+s4+$0x0], $0xffff  }
0x68: {  	v15 =	vld [tilespmem:s21+$0xFFFFFFD0]  }
0x69: {  	v10 =	vadd.s32 v7, v10;
	v14 =	vld [tilespmem:s21+$0xFFFFFFE0]  }
0x6a: {  	v12 =	vld [tilespmem:s21+$0x0]  }
0x6b: {  	v8 =	vadd.s32 v7, v8;
	[tilespmem:s24+$0x130] =	vst v16;
	v16 =	vld [tilespmem:s21+$0xFFFFFFC0]  }
0x6c: {  	v44 =	vadd.s32 v7, v9;
	v43 =	vld.idx.msk [tilespmem:v11+s4+$0x0], $0xffff  }
0x6d: {  	v11 =	vld [tilespmem:s21+$0x20];
	[tilespmem:s24+$0x140] =	vst v19;
	v45 =	vadd.s32 v0, v17  }
0x6e: {  	v47 =	vadd.s32 v0, v13;
	v19 =	vld.idx.msk [tilespmem:v10+s4+$0x0], $0xffff  }
0x6f: {  	v10 =	vld [tilespmem:s21+$0x10];
	v46 =	vadd.s32 v0, v15;
	[tilespmem:s24+$0x150] =	vst v20  }
0x70: {  	[tilespmem:s24+$0x160] =	vst v40;
	v20 =	vadd.s32 v0, v14;
	v9 =	vld.idx.msk [tilespmem:v8+s4+$0x0], $0xffff  }
0x71: {  	v29 =	vadd.s32 v0, v12;
	v8 =	vld.idx.msk [tilespmem:v44+s4+$0x0], $0xffff  }
0x72: {  	[tilespmem:s24+$0x1F0] =	vst v37;
	v52 =	vadd.s32 v0, v16;
	v49 =	vld.idx.msk [tilespmem:v45+s4+$0x0], $0xffff  }
0x73: {  	[tilespmem:s24+$0x190] =	vst v18;
	v51 =	vadd.s32 v0, v11;
	v21 =	vld.idx.msk [tilespmem:v47+s4+$0x0], $0xffff  }
0x74: {  	[tilespmem:s24+$0x180] =	vst v41;
	v48 =	vadd.s32 v0, v10;
	v50 =	vld.idx.msk [tilespmem:v46+s4+$0x0], $0xffff  }
0x75: {  	[tilespmem:s24+$0x1A0] =	vst v42;
	v18 =	vld.idx.msk [tilespmem:v20+s4+$0x0], $0xffff;
	v20 =	vadd.s32 v1, v17  }
0x76: {  	v55 =	vadd.s32 v1, v13;
	[tilespmem:s24+$0x1B0] =	vst v43;
	v54 =	vld.idx.msk [tilespmem:v29+s4+$0x0], $0xffff  }
0x77: {  	s25 =	simm.s32 $0x18040;
	v53 =	vadd.s32 v1, v15;
	[tilespmem:s24+$0x1C0] =	vst v19;
	v24 =	vld.idx.msk [tilespmem:v52+s4+$0x0], $0xffff  }
0x78: {  	v19 =	vadd.s32 v1, v14;
	v27 =	vld.idx.msk [tilespmem:v51+s4+$0x0], $0xffff;
	[tilespmem:s25+$0xFFFFFE70] =	vst v49  }
0x79: {  	v56 =	vadd.s32 v1, v12;
	[tilespmem:s25+$0xFFFFFE30] =	vst v21;
	v23 =	vld.idx.msk [tilespmem:v48+s4+$0x0], $0xffff  }
0x7a: {  	v59 =	vadd.s32 v1, v16;
	[tilespmem:s25+$0xFFFFFE10] =	vst v50;
	v20 =	vld.idx.msk [tilespmem:v20+s4+$0x0], $0xffff  }
0x7b: {  	v57 =	vadd.s32 v1, v10;
	[tilespmem:s25+$0xFFFFFE20] =	vst v18;
	v29 =	vld.idx.msk [tilespmem:v55+s4+$0x0], $0xffff  }
0x7c: {  	v58 =	vadd.s32 v2, v17;
	[tilespmem:s25+$0xFFFFFE40] =	vst v54;
	v18 =	vld.idx.msk [tilespmem:v53+s4+$0x0], $0xffff  }
0x7d: {  	v60 =	vadd.s32 v1, v11;
	[tilespmem:s25+$0xFFFFFE00] =	vst v24;
	v19 =	vld.idx.msk [tilespmem:v19+s4+$0x0], $0xffff  }
0x7e: {  	v61 =	vadd.s32 v2, v15;
	v26 =	vld.idx.msk [tilespmem:v56+s4+$0x0], $0xffff;
	[tilespmem:s25+$0xFFFFFE60] =	vst v27  }
0x7f: {  	v62 =	vadd.s32 v2, v14;
	v25 =	vld.idx.msk [tilespmem:v59+s4+$0x0], $0xffff;
	[tilespmem:s25+$0xFFFFFE50] =	vst v23  }
0x80: {  	v63 =	vadd.s32 v2, v12;
	[tilespmem:s25+$0xFFFFFEF0] =	vst v20;
	v22 =	vld.idx.msk [tilespmem:v57+s4+$0x0], $0xffff  }
0x81: {  	v32 =	vadd.s32 v2, v16;
	[tilespmem:s25+$0xFFFFFEB0] =	vst v29;
	v21 =	vld.idx.msk [tilespmem:v58+s4+$0x0], $0xffff  }
0x82: {  	v20 =	vadd.s32 v2, v13;
	[tilespmem:s25+$0xFFFFFE90] =	vst v18;
	v18 =	vld.idx.msk [tilespmem:v60+s4+$0x0], $0xffff  }
0x83: {  	[tilespmem:s25+$0xFFFFFEA0] =	vst v19;
	v19 =	vadd.s32 v3, v17;
	v23 =	vld.idx.msk [tilespmem:v61+s4+$0x0], $0xffff  }
0x84: {  	v33 =	vadd.s32 v2, v10;
	[tilespmem:s25+$0xFFFFFEC0] =	vst v26;
	v27 =	vld.idx.msk [tilespmem:v62+s4+$0x0], $0xffff  }
0x85: {  	v34 =	vadd.s32 v2, v11;
	[tilespmem:s25+$0xFFFFFE80] =	vst v25;
	v24 =	vld.idx.msk [tilespmem:v63+s4+$0x0], $0xffff  }
0x86: {  	v35 =	vadd.s32 v3, v15;
	v28 =	vld.idx.msk [tilespmem:v32+s4+$0x0], $0xffff;
	[tilespmem:s25+$0xFFFFFED0] =	vst v22  }
0x87: {  	v36 =	vadd.s32 v3, v14;
	v20 =	vld.idx.msk [tilespmem:v20+s4+$0x0], $0xffff;
	[tilespmem:s25+$0xFFFFFF70] =	vst v21  }
0x88: {  	v39 =	vadd.s32 v3, v16;
	[tilespmem:s25+$0xFFFFFEE0] =	vst v18;
	v19 =	vld.idx.msk [tilespmem:v19+s4+$0x0], $0xffff  }
0x89: {  	v37 =	vadd.s32 v3, v13;
	[tilespmem:s25+$0xFFFFFF10] =	vst v23;
	v18 =	vld.idx.msk [tilespmem:v33+s4+$0x0], $0xffff  }
0x8a: {  	v40 =	vadd.s32 v3, v12;
	[tilespmem:s25+$0xFFFFFF20] =	vst v27;
	v26 =	vld.idx.msk [tilespmem:v34+s4+$0x0], $0xffff  }
0x8b: {  	v38 =	vadd.s32 v4, v17;
	[tilespmem:s25+$0xFFFFFF40] =	vst v24;
	v22 =	vld.idx.msk [tilespmem:v35+s4+$0x0], $0xffff  }
0x8c: {  	v41 =	vadd.s32 v3, v11;
	[tilespmem:s25+$0xFFFFFF00] =	vst v28;
	v21 =	vld.idx.msk [tilespmem:v36+s4+$0x0], $0xffff  }
0x8d: {  	v42 =	vadd.s32 v4, v14;
	v29 =	vld.idx.msk [tilespmem:v39+s4+$0x0], $0xffff;
	[tilespmem:s25+$0xFFFFFF30] =	vst v20  }
0x8e: {  	v44 =	vadd.s32 v4, v16;
	v25 =	vld.idx.msk [tilespmem:v37+s4+$0x0], $0xffff;
	[tilespmem:s25+$0xFFFFFFF0] =	vst v19  }
0x8f: {  	v20 =	vadd.s32 v3, v10;
	[tilespmem:s25+$0xFFFFFF50] =	vst v18;
	v18 =	vld.idx.msk [tilespmem:v40+s4+$0x0], $0xffff  }
0x90: {  	v19 =	vadd.s32 v4, v15;
	[tilespmem:s25+$0xFFFFFF60] =	vst v26;
	v23 =	vld.idx.msk [tilespmem:v38+s4+$0x0], $0xffff  }
0x91: {  	v45 =	vadd.s32 v4, v13;
	[tilespmem:s25+$0xFFFFFFA0] =	vst v21;
	v46 =	vld.idx.msk [tilespmem:v41+s4+$0x0], $0xffff  }
0x92: {  	v47 =	vadd.s32 v4, v12;
	[tilespmem:s25+$0xFFFFFF80] =	vst v29;
	v28 =	vld.idx.msk [tilespmem:v42+s4+$0x0], $0xffff  }
0x93: {  	v43 =	vadd.s32 v5, v17;
	[tilespmem:s25+$0xFFFFFF90] =	vst v22;
	v27 =	vld.idx.msk [tilespmem:v44+s4+$0x0], $0xffff  }
0x94: {  	v49 =	vadd.s32 v4, v11;
	v20 =	vld.idx.msk [tilespmem:v20+s4+$0x0], $0xffff;
	[tilespmem:s25+$0xFFFFFFB0] =	vst v25  }
0x95: {  	v51 =	vadd.s32 v5, v16;
	v19 =	vld.idx.msk [tilespmem:v19+s4+$0x0], $0xffff;
	[tilespmem:s25+$0xFFFFFFC0] =	vst v18  }
0x96: {  	v48 =	vadd.s32 v4, v10;
	v18 =	vld.idx.msk [tilespmem:v45+s4+$0x0], $0xffff;
	[tilespmem:s25+$0x70] =	vst v23  }
0x97: {  	v52 =	vadd.s32 v5, v14;
	v24 =	vld.idx.msk [tilespmem:v47+s4+$0x0], $0xffff;
	[tilespmem:s25+$0xFFFFFFE0] =	vst v46  }
0x98: {  	v50 =	vadd.s32 v5, v15;
	v26 =	vld.idx.msk [tilespmem:v43+s4+$0x0], $0xffff;
	[tilespmem:s25+$0x20] =	vst v28  }
0x99: {  	v53 =	vadd.s32 v5, v13;
	v23 =	vld.idx.msk [tilespmem:v49+s4+$0x0], $0xffff;
	[tilespmem:s25+$0x0] =	vst v27  }
0x9a: {  	[tilespmem:s25+$0xFFFFFFD0] =	vst v20;
	v20 =	vadd.s32 v6, v17;
	v22 =	vld.idx.msk [tilespmem:v51+s4+$0x0], $0xffff  }
0x9b: {  	v54 =	vadd.s32 v5, v12;
	[tilespmem:s25+$0x10] =	vst v19;
	v19 =	vld.idx.msk [tilespmem:v48+s4+$0x0], $0xffff  }
0x9c: {  	v56 =	vadd.s32 v5, v11;
	[tilespmem:s25+$0x30] =	vst v18;
	v18 =	vld.idx.msk [tilespmem:v52+s4+$0x0], $0xffff  }
0x9d: {  	v57 =	vadd.s32 v6, v16;
	v29 =	vld.idx.msk [tilespmem:v50+s4+$0x0], $0xffff;
	[tilespmem:s25+$0x40] =	vst v24  }
0x9e: {  	v55 =	vadd.s32 v5, v10;
	v58 =	vld.idx.msk [tilespmem:v53+s4+$0x0], $0xffff;
	[tilespmem:s25+$0xF0] =	vst v26  }
0x9f: {  	v60 =	vadd.s32 v6, v14;
	[tilespmem:s25+$0x60] =	vst v23;
	v20 =	vld.idx.msk [tilespmem:v20+s4+$0x0], $0xffff  }
0xa0: {  	v17 =	vadd.s32 v7, v17;
	v59 =	vld.idx.msk [tilespmem:v54+s4+$0x0], $0xffff;
	[tilespmem:s25+$0x80] =	vst v22  }
0xa1: {  	v61 =	vadd.s32 v6, v13;
	v27 =	vld.idx.msk [tilespmem:v56+s4+$0x0], $0xffff;
	[tilespmem:s25+$0x50] =	vst v19  }
0xa2: {  	v21 =	vld.idx.msk [tilespmem:v57+s4+$0x0], $0xffff;
	v19 =	vadd.s32 v6, v15;
	[tilespmem:s25+$0xA0] =	vst v18  }
0xa3: {  	v18 =	vadd.s32 v6, v11;
	[tilespmem:s25+$0x90] =	vst v29;
	v26 =	vld.idx.msk [tilespmem:v55+s4+$0x0], $0xffff  }
0xa4: {  	v23 =	vld.idx.msk [tilespmem:v60+s4+$0x0], $0xffff;
	[tilespmem:s25+$0x170] =	vst v20;
	v20 =	vadd.s32 v6, v12  }
0xa5: {  	v62 =	vadd.s32 v6, v10;
	[tilespmem:s25+$0xB0] =	vst v58;
	v17 =	vld.idx.msk [tilespmem:v17+s4+$0x0], $0xffff  }
0xa6: {  	v16 =	vadd.s32 v7, v16;
	[tilespmem:s25+$0xC0] =	vst v59;
	v24 =	vld.idx.msk [tilespmem:v61+s4+$0x0], $0xffff  }
0xa7: {  	v13 =	vadd.s32 v7, v13;
	[tilespmem:s25+$0xE0] =	vst v27;
	v19 =	vld.idx.msk [tilespmem:v19+s4+$0x0], $0xffff  }
0xa8: {  	v15 =	vadd.s32 v7, v15;
	[tilespmem:s25+$0x100] =	vst v21;
	v18 =	vld.idx.msk [tilespmem:v18+s4+$0x0], $0xffff  }
0xa9: {  	v63 =	vadd.s32 v7, v14;
	[tilespmem:s25+$0xD0] =	vst v26;
	v20 =	vld.idx.msk [tilespmem:v20+s4+$0x0], $0xffff  }
0xaa: {  	v22 =	vld.idx.msk [tilespmem:v62+s4+$0x0], $0xffff;
	[tilespmem:s25+$0x1F0] =	vst v17;
	v17 =	vadd.s32 v7, v12  }
0xab: {  	v14 =	vld.idx.msk [tilespmem:v16+s4+$0x0], $0xffff;
	[tilespmem:s25+$0x130] =	vst v24  }
0xac: {  	v13 =	vld.idx.msk [tilespmem:v13+s4+$0x0], $0xffff;
	[tilespmem:s25+$0x110] =	vst v19  }
0xad: {  	[tilespmem:s25+$0x120] =	vst v23;
	v16 =	vld.idx.msk [tilespmem:v15+s4+$0x0], $0xffff  }
0xae: {  	v19 =	vld.idx.msk [tilespmem:v63+s4+$0x0], $0xffff;
	[tilespmem:s25+$0x140] =	vst v20  }
0xaf: {  	s28 =	simm.s32 $0x8;
	s26 =	sadd.s32 s3, s26;
	s29 =	sadd.s32 $0x400, s21;
	v11 =	vadd.s32 v7, v11;
	v12 =	vadd.s32 v7, v10;
	[tilespmem:s25+$0x150] =	vst v22;
	v15 =	vld.idx.msk [tilespmem:v17+s4+$0x0], $0xffff  }
.LBB2_3:
0xb0: {  	v10 =	vld [tilespmem:s29+$0x30];
	s28 =	sadd.s32 $0x8, s28;
	[tilespmem:s25+$0x160] =	vst v18  }
0xb1: {  	v17 =	vld [tilespmem:s29+$0xFFFFFFD0];
	p1 =	slt.u32 s28, $0x38;
	[tilespmem:s25+$0x180] =	vst v14  }
0xb2: {  	v21 =	vld [tilespmem:s29+$0xFFFFFFE0];
	[tilespmem:s25+$0x190] =	vst v16  }
0xb3: {  	v25 =	vld [tilespmem:s29+$0xFFFFFFF0];
	[tilespmem:s25+$0x1A0] =	vst v19  }
0xb4: {  	v26 =	vld [tilespmem:s29+$0x0];
	[tilespmem:s25+$0x1B0] =	vst v13  }
0xb5: {  	v27 =	vld [tilespmem:s29+$0x10];
	v13 =	vadd.s32 v0, v10;
	[tilespmem:s25+$0x1C0] =	vst v15  }
0xb6: {  	v14 =	vadd.s32 v0, v17;
	v15 =	vadd.s32 v1, v17;
	v28 =	vadd.s32 v2, v17;
	v29 =	vld [tilespmem:s29+$0x20];
	[tilespmem:s24+$0x1D0] =	vst v9  }
0xb7: {  	v20 =	vld [tilespmem:s29+$0xFFFFFFC0];
	v16 =	vadd.s32 v0, v21;
	v18 =	vadd.s32 v1, v21;
	v30 =	vadd.s32 v2, v21;
	[tilespmem:s24+$0x1E0] =	vst v8;
	s24 =	smov.u32 s25  }
0xb8: {  	v19 =	vadd.s32 v0, v25;
	v22 =	vadd.s32 v1, v25;
	v31 =	vadd.s32 v2, v25;
	v9 =	vld.idx.msk [tilespmem:v12+s4+$0x0], $0xffff  }
0xb9: {  	v12 =	vadd.s32 v0, v26;
	v23 =	vadd.s32 v1, v26;
	v32 =	vadd.s32 v2, v26;
	v8 =	vld.idx.msk [tilespmem:v11+s4+$0x0], $0xffff  }
0xba: {  	v11 =	vadd.s32 v0, v27;
	v24 =	vadd.s32 v1, v27;
	v33 =	vadd.s32 v2, v27;
	v13 =	vld.idx.msk [tilespmem:v13+s4+$0x0], $0xffff  }
0xbb: {  	v14 =	vld.idx.msk [tilespmem:v14+s4+$0x0], $0xffff;
	v34 =	vadd.s32 v0, v29;
	v35 =	vadd.s32 v1, v29;
	v36 =	vadd.s32 v2, v29  }
0xbc: {  	v39 =	vadd.s32 v1, v10;
	v37 =	vadd.s32 v0, v20;
	v38 =	vadd.s32 v1, v20;
	v16 =	vld.idx.msk [tilespmem:v16+s4+$0x0], $0xffff  }
0xbd: {  	v42 =	vadd.s32 v3, v17;
	v40 =	vadd.s32 v2, v20;
	v41 =	vadd.s32 v3, v20;
	v19 =	vld.idx.msk [tilespmem:v19+s4+$0x0], $0xffff  }
0xbe: {  	v43 =	vadd.s32 v3, v21;
	v44 =	vadd.s32 v3, v25;
	v45 =	vadd.s32 v3, v26;
	v12 =	vld.idx.msk [tilespmem:v12+s4+$0x0], $0xffff  }
0xbf: {  	s25 =	sadd.s32 $0x400, s25;
	v47 =	vadd.s32 v3, v27;
	v48 =	vadd.s32 v3, v29;
	v46 =	vadd.s32 v4, v20;
	v11 =	vld.idx.msk [tilespmem:v11+s4+$0x0], $0xffff  }
0xc0: {  	v49 =	vadd.s32 v4, v17;
	v50 =	vadd.s32 v4, v21;
	v34 =	vld.idx.msk [tilespmem:v34+s4+$0x0], $0xffff;
	[tilespmem:s25+$0xFFFFFE70] =	vst v13  }
0xc1: {  	v51 =	vadd.s32 v4, v25;
	v52 =	vadd.s32 v4, v26;
	[tilespmem:s25+$0xFFFFFE10] =	vst v14;
	v13 =	vld.idx.msk [tilespmem:v39+s4+$0x0], $0xffff  }
0xc2: {  	v53 =	vadd.s32 v4, v29;
	v39 =	vadd.s32 v4, v27;
	v37 =	vld.idx.msk [tilespmem:v37+s4+$0x0], $0xffff;
	[tilespmem:s25+$0xFFFFFE20] =	vst v16  }
0xc3: {  	v54 =	vadd.s32 v5, v20;
	v15 =	vld.idx.msk [tilespmem:v15+s4+$0x0], $0xffff;
	[tilespmem:s25+$0xFFFFFE30] =	vst v19;
	v19 =	vadd.s32 v2, v10  }
0xc4: {  	v55 =	vadd.s32 v5, v17;
	v57 =	vadd.s32 v5, v21;
	v56 =	vld.idx.msk [tilespmem:v18+s4+$0x0], $0xffff;
	[tilespmem:s25+$0xFFFFFE40] =	vst v12  }
0xc5: {  	v58 =	vadd.s32 v5, v25;
	v59 =	vadd.s32 v5, v26;
	v12 =	vld.idx.msk [tilespmem:v22+s4+$0x0], $0xffff;
	[tilespmem:s25+$0xFFFFFE50] =	vst v11  }
0xc6: {  	v60 =	vadd.s32 v5, v27;
	v11 =	vld.idx.msk [tilespmem:v23+s4+$0x0], $0xffff;
	[tilespmem:s25+$0xFFFFFE60] =	vst v34;
	v34 =	vadd.s32 v5, v29  }
0xc7: {  	v14 =	vadd.s32 v6, v17;
	v22 =	vadd.s32 v6, v20;
	v61 =	vld.idx.msk [tilespmem:v24+s4+$0x0], $0xffff;
	[tilespmem:s25+$0xFFFFFEF0] =	vst v13  }
0xc8: {  	v16 =	vadd.s32 v6, v25;
	v23 =	vadd.s32 v6, v21;
	[tilespmem:s25+$0xFFFFFE00] =	vst v37;
	v37 =	vld.idx.msk [tilespmem:v19+s4+$0x0], $0xffff  }
0xc9: {  	v18 =	vadd.s32 v6, v27;
	v24 =	vadd.s32 v6, v26;
	v38 =	vld.idx.msk [tilespmem:v38+s4+$0x0], $0xffff;
	[tilespmem:s25+$0xFFFFFE90] =	vst v15  }
0xca: {  	v19 =	vadd.s32 v6, v29;
	[tilespmem:s25+$0xFFFFFEA0] =	vst v56;
	v35 =	vld.idx.msk [tilespmem:v35+s4+$0x0], $0xffff;
	v56 =	vadd.s32 v3, v10  }
0xcb: {  	v20 =	vadd.s32 v7, v20;
	v15 =	vadd.s32 v7, v17;
	v28 =	vld.idx.msk [tilespmem:v28+s4+$0x0], $0xffff;
	[tilespmem:s25+$0xFFFFFEB0] =	vst v12  }
0xcc: {  	v21 =	vadd.s32 v7, v21;
	v13 =	vadd.s32 v7, v25;
	v30 =	vld.idx.msk [tilespmem:v30+s4+$0x0], $0xffff;
	[tilespmem:s25+$0xFFFFFEC0] =	vst v11  }
0xcd: {  	v17 =	vadd.s32 v7, v26;
	v12 =	vadd.s32 v7, v27;
	v25 =	vld.idx.msk [tilespmem:v31+s4+$0x0], $0xffff;
	[tilespmem:s25+$0xFFFFFED0] =	vst v61  }
0xce: {  	v11 =	vadd.s32 v7, v29;
	v26 =	vld.idx.msk [tilespmem:v32+s4+$0x0], $0xffff;
	[tilespmem:s25+$0xFFFFFF70] =	vst v37  }
0xcf: {  	[tilespmem:s25+$0xFFFFFE80] =	vst v38;
	v27 =	vld.idx.msk [tilespmem:v56+s4+$0x0], $0xffff  }
0xd0: {  	v29 =	vld.idx.msk [tilespmem:v40+s4+$0x0], $0xffff;
	[tilespmem:s25+$0xFFFFFEE0] =	vst v35  }
0xd1: {  	v31 =	vadd.s32 v4, v10;
	[tilespmem:s25+$0xFFFFFF10] =	vst v28;
	v28 =	vld.idx.msk [tilespmem:v33+s4+$0x0], $0xffff  }
0xd2: {  	[tilespmem:s25+$0xFFFFFF20] =	vst v30;
	v30 =	vld.idx.msk [tilespmem:v36+s4+$0x0], $0xffff  }
0xd3: {  	v32 =	vld.idx.msk [tilespmem:v42+s4+$0x0], $0xffff;
	[tilespmem:s25+$0xFFFFFF30] =	vst v25  }
0xd4: {  	v25 =	vld.idx.msk [tilespmem:v43+s4+$0x0], $0xffff;
	[tilespmem:s25+$0xFFFFFF40] =	vst v26  }
0xd5: {  	v26 =	vld.idx.msk [tilespmem:v44+s4+$0x0], $0xffff;
	[tilespmem:s25+$0xFFFFFFF0] =	vst v27  }
0xd6: {  	[tilespmem:s25+$0xFFFFFF00] =	vst v29;
	v27 =	vld.idx.msk [tilespmem:v31+s4+$0x0], $0xffff  }
0xd7: {  	v29 =	vld.idx.msk [tilespmem:v41+s4+$0x0], $0xffff;
	[tilespmem:s25+$0xFFFFFF50] =	vst v28  }
0xd8: {  	v28 =	vld.idx.msk [tilespmem:v45+s4+$0x0], $0xffff;
	[tilespmem:s25+$0xFFFFFF60] =	vst v30;
	v30 =	vadd.s32 v5, v10  }
0xd9: {  	[tilespmem:s25+$0xFFFFFF90] =	vst v32;
	v31 =	vld.idx.msk [tilespmem:v47+s4+$0x0], $0xffff  }
0xda: {  	[tilespmem:s25+$0xFFFFFFA0] =	vst v25;
	v25 =	vld.idx.msk [tilespmem:v48+s4+$0x0], $0xffff  }
0xdb: {  	v32 =	vld.idx.msk [tilespmem:v49+s4+$0x0], $0xffff;
	[tilespmem:s25+$0xFFFFFFB0] =	vst v26  }
0xdc: {  	v26 =	vld.idx.msk [tilespmem:v50+s4+$0x0], $0xffff;
	[tilespmem:s25+$0x70] =	vst v27  }
0xdd: {  	[tilespmem:s25+$0xFFFFFF80] =	vst v29;
	v27 =	vld.idx.msk [tilespmem:v30+s4+$0x0], $0xffff  }
0xde: {  	v29 =	vld.idx.msk [tilespmem:v46+s4+$0x0], $0xffff;
	[tilespmem:s25+$0xFFFFFFC0] =	vst v28  }
0xdf: {  	v30 =	vadd.s32 v6, v10;
	v28 =	vld.idx.msk [tilespmem:v51+s4+$0x0], $0xffff;
	[tilespmem:s25+$0xFFFFFFD0] =	vst v31  }
0xe0: {  	v31 =	vld.idx.msk [tilespmem:v52+s4+$0x0], $0xffff;
	[tilespmem:s25+$0xFFFFFFE0] =	vst v25  }
0xe1: {  	[tilespmem:s25+$0x10] =	vst v32;
	v25 =	vld.idx.msk [tilespmem:v39+s4+$0x0], $0xffff  }
0xe2: {  	[tilespmem:s25+$0x20] =	vst v26;
	v26 =	vld.idx.msk [tilespmem:v53+s4+$0x0], $0xffff  }
0xe3: {  	v32 =	vld.idx.msk [tilespmem:v55+s4+$0x0], $0xffff;
	[tilespmem:s25+$0xF0] =	vst v27  }
0xe4: {  	[tilespmem:s25+$0x0] =	vst v29;
	v27 =	vld.idx.msk [tilespmem:v30+s4+$0x0], $0xffff  }
0xe5: {  	v29 =	vld.idx.msk [tilespmem:v54+s4+$0x0], $0xffff;
	[tilespmem:s25+$0x30] =	vst v28  }
0xe6: {  	v10 =	vadd.s32 v7, v10;
	v28 =	vld.idx.msk [tilespmem:v57+s4+$0x0], $0xffff;
	[tilespmem:s25+$0x40] =	vst v31  }
0xe7: {  	v30 =	vld.idx.msk [tilespmem:v58+s4+$0x0], $0xffff;
	[tilespmem:s25+$0x50] =	vst v25  }
0xe8: {  	v25 =	vld.idx.msk [tilespmem:v59+s4+$0x0], $0xffff;
	[tilespmem:s25+$0x60] =	vst v26  }
0xe9: {  	[tilespmem:s25+$0x90] =	vst v32;
	v26 =	vld.idx.msk [tilespmem:v60+s4+$0x0], $0xffff  }
0xea: {  	v31 =	vld.idx.msk [tilespmem:v34+s4+$0x0], $0xffff;
	[tilespmem:s25+$0x170] =	vst v27  }
0xeb: {  	[tilespmem:s25+$0x80] =	vst v29;
	v10 =	vld.idx.msk [tilespmem:v10+s4+$0x0], $0xffff  }
0xec: {  	v22 =	vld.idx.msk [tilespmem:v22+s4+$0x0], $0xffff;
	[tilespmem:s25+$0xA0] =	vst v28  }
0xed: {  	v27 =	vld.idx.msk [tilespmem:v14+s4+$0x0], $0xffff;
	[tilespmem:s25+$0xB0] =	vst v30  }
0xee: {  	v23 =	vld.idx.msk [tilespmem:v23+s4+$0x0], $0xffff;
	[tilespmem:s25+$0xC0] =	vst v25  }
0xef: {  	v25 =	vld.idx.msk [tilespmem:v16+s4+$0x0], $0xffff;
	[tilespmem:s25+$0xD0] =	vst v26  }
0xf0: {  	v24 =	vld.idx.msk [tilespmem:v24+s4+$0x0], $0xffff;
	[tilespmem:s25+$0xE0] =	vst v31  }
0xf1: {  	v26 =	vld.idx.msk [tilespmem:v18+s4+$0x0], $0xffff;
	[tilespmem:s25+$0x1F0] =	vst v10  }
0xf2: {  	[tilespmem:s25+$0x100] =	vst v22;
	v18 =	vld.idx.msk [tilespmem:v19+s4+$0x0], $0xffff  }
.Ltmp0:
0xf3: {  	v14 =	vld.idx.msk [tilespmem:v20+s4+$0x0], $0xffff;
	[tilespmem:s25+$0x110] =	vst v27;
	(pc) =	sbr.rel @p1 .LBB2_3-.Ltmp0, $4  }
0xf4: {  	v16 =	vld.idx.msk [tilespmem:v15+s4+$0x0], $0xffff;
	[tilespmem:s25+$0x120] =	vst v23  }
0xf5: {  	v19 =	vld.idx.msk [tilespmem:v21+s4+$0x0], $0xffff;
	[tilespmem:s25+$0x130] =	vst v25  }
0xf6: {  	v13 =	vld.idx.msk [tilespmem:v13+s4+$0x0], $0xffff;
	[tilespmem:s25+$0x140] =	vst v24  }
0xf7: {  	s29 =	sadd.s32 $0x400, s29;
	v15 =	vld.idx.msk [tilespmem:v17+s4+$0x0], $0xffff;
	[tilespmem:s25+$0x150] =	vst v26  }
0xf8: {  	_ = 	snop  }
0xf9: {  	[tilespmem:s25+$0x160] =	vst v18  }
0xfa: {  	[tilespmem:s25+$0x180] =	vst v14  }
0xfb: {  	[tilespmem:s24+$0x1D0] =	vst v9  }
0xfc: {  	v0 =	vld.idx.msk [tilespmem:v12+s4+$0x0], $0xffff;
	[tilespmem:s24+$0x1E0] =	vst v8  }
0xfd: {  	[tilespmem:s25+$0x190] =	vst v16;
	v1 =	vld.idx.msk [tilespmem:v11+s4+$0x0], $0xffff  }
0xfe: {  	s24 =	sshll.u32 s26, $0x12;
	s28 =	sshll.u32 s23, $0xF;
	[tilespmem:s25+$0x1A0] =	vst v19  }
0xff: {  	s26 =	sor.u32 s28, s24;
	[tilespmem:s25+$0x1B0] =	vst v13  }
0x100: {  	s26 =	sor.u32 s5, s26;
	[tilespmem:s25+$0x1C0] =	vst v15  }
0x101: {  	s26 =	sshrl.u32 s26, $0x3;
	[tilespmem:s25+$0x1D0] =	vst v0  }
0x102: {  	s29 =	sadd.s32 s2, s26;
	[tilespmem:s25+$0x1E0] =	vst v1;
	s25 =	simm.s32 @!p0 $0x2  }
0x103: {  	[hbm4b:s29+s4] =	stream.linear.scatter [tilespmem:s15], [sflag:$0x1], $0x2000, $0x38;
	[tilespmem:$0x1BA40] =	vst v63  }
0x104: {  	_ =	swait.ge @!p0 [sflag:s25], $0x2000  }
0x105: {  	[sflag:s25] =	ssyncset.done @!p0 $0x0  }
0x106: {  	[sflag:s25] =	ssyncadd.s32 @!p0 $0xFFFFE000  }
0x107: {  	v15 =	vld [tilespmem:s22+$0x30]  }
0x108: {  	s23 =	sor.u32 $0x1, s23;
	v13 =	vld [tilespmem:s22+$0xFFFFFFD0]  }
0x109: {  	s25 =	smul.u32 $0x1F48, s23;
	v12 =	vld [tilespmem:s22+$0xFFFFFFE0]  }
0x10a: {  	v11 =	vld [tilespmem:s22+$0xFFFFFFF0]  }
0x10b: {  	v10 =	vld [tilespmem:s22+$0x0];
	v0 =	vmov s25  }
0x10c: {  	v8 =	vld [tilespmem:s22+$0x10];
	v1 =	vadd.s32 v0, v15  }
0x10d: {  	v14 =	vld [tilespmem:s22+$0xFFFFFFC0];
	v2 =	vadd.s32 v0, v13  }
0x10e: {  	v9 =	vld [tilespmem:s22+$0x20];
	v3 =	vadd.s32 v0, v12  }
0x10f: {  	v4 =	vadd.s32 v0, v11  }
0x110: {  	v5 =	vadd.s32 v0, v10  }
0x111: {  	v6 =	vadd.s32 v0, v8;
	v7 =	vld.idx.msk [tilespmem:v1+s4+$0x0], $0xffff  }
0x112: {  	s30 =	sadd.s32 $0x3E9, s25;
	v18 =	vadd.s32 v0, v14;
	v16 =	vld.idx.msk [tilespmem:v2+s4+$0x0], $0xffff  }
0x113: {  	v1 =	vmov s30;
	v2 =	vadd.s32 v0, v9;
	v3 =	vld.idx.msk [tilespmem:v3+s4+$0x0], $0xffff  }
0x114: {  	v4 =	vld.idx.msk [tilespmem:v4+s4+$0x0], $0xffff;
	v17 =	vadd.s32 v1, v15  }
0x115: {  	s22 =	simm.s32 $0x19C40;
	v5 =	vld.idx.msk [tilespmem:v5+s4+$0x0], $0xffff;
	v19 =	vadd.s32 v1, v13  }
0x116: {  	v6 =	vld.idx.msk [tilespmem:v6+s4+$0x0], $0xffff;
	v20 =	vadd.s32 v1, v12;
	[tilespmem:s22+$0xFFFFFE70] =	vst v7  }
0x117: {  	v21 =	vadd.s32 v1, v11;
	[tilespmem:s22+$0xFFFFFE10] =	vst v16;
	v16 =	vld.idx.msk [tilespmem:v18+s4+$0x0], $0xffff  }
0x118: {  	v23 =	vadd.s32 v1, v8;
	v22 =	vld.idx.msk [tilespmem:v2+s4+$0x0], $0xffff;
	[tilespmem:s22+$0xFFFFFE20] =	vst v3  }
0x119: {  	v7 =	vadd.s32 v1, v10;
	[tilespmem:s22+$0xFFFFFE30] =	vst v4;
	v17 =	vld.idx.msk [tilespmem:v17+s4+$0x0], $0xffff  }
0x11a: {  	s31 =	sadd.s32 $0x7D2, s25;
	[tilespmem:s22+$0xFFFFFE40] =	vst v5;
	v18 =	vld.idx.msk [tilespmem:v19+s4+$0x0], $0xffff;
	v19 =	vadd.s32 v1, v14  }
0x11b: {  	v2 =	vmov s31;
	[tilespmem:s22+$0xFFFFFE50] =	vst v6;
	v4 =	vld.idx.msk [tilespmem:v20+s4+$0x0], $0xffff;
	v20 =	vadd.s32 v1, v9  }
0x11c: {  	v3 =	vadd.s32 v2, v15;
	v5 =	vld.idx.msk [tilespmem:v21+s4+$0x0], $0xffff;
	[tilespmem:s22+$0xFFFFFE00] =	vst v16  }
0x11d: {  	v45 =	vadd.s32 v2, v13;
	v23 =	vld.idx.msk [tilespmem:v23+s4+$0x0], $0xffff;
	[tilespmem:s22+$0xFFFFFE60] =	vst v22  }
0x11e: {  	v6 =	vld.idx.msk [tilespmem:v7+s4+$0x0], $0xffff;
	v7 =	vadd.s32 v2, v12;
	[tilespmem:s22+$0xFFFFFEF0] =	vst v17  }
0x11f: {  	v17 =	vadd.s32 v2, v11;
	v19 =	vld.idx.msk [tilespmem:v19+s4+$0x0], $0xffff;
	[tilespmem:s22+$0xFFFFFE90] =	vst v18  }
0x120: {  	v24 =	vadd.s32 v2, v10;
	v18 =	vld.idx.msk [tilespmem:v20+s4+$0x0], $0xffff;
	[tilespmem:s22+$0xFFFFFEA0] =	vst v4  }
0x121: {  	s28 =	sadd.s32 $0xBBB, s25;
	v25 =	vadd.s32 v2, v8;
	[tilespmem:s22+$0xFFFFFEB0] =	vst v5;
	v16 =	vld.idx.msk [tilespmem:v3+s4+$0x0], $0xffff  }
0x122: {  	v46 =	vadd.s32 v2, v14;
	[tilespmem:s22+$0xFFFFFED0] =	vst v23;
	v3 =	vmov s28;
	v21 =	vld.idx.msk [tilespmem:v45+s4+$0x0], $0xffff  }
0x123: {  	v20 =	vadd.s32 v3, v15;
	v5 =	vld.idx.msk [tilespmem:v7+s4+$0x0], $0xffff;
	[tilespmem:s22+$0xFFFFFEC0] =	vst v6  }
0x124: {  	v7 =	vadd.s32 v2, v9;
	v6 =	vld.idx.msk [tilespmem:v17+s4+$0x0], $0xffff;
	[tilespmem:s22+$0xFFFFFE80] =	vst v19  }
0x125: {  	v17 =	vadd.s32 v3, v13;
	v24 =	vld.idx.msk [tilespmem:v24+s4+$0x0], $0xffff;
	[tilespmem:s22+$0xFFFFFEE0] =	vst v18  }
0x126: {  	v18 =	vld.idx.msk [tilespmem:v25+s4+$0x0], $0xffff;
	[tilespmem:s22+$0xFFFFFF70] =	vst v16;
	v16 =	vadd.s32 v3, v12  }
0x127: {  	v49 =	vadd.s32 v3, v10;
	v22 =	vld.idx.msk [tilespmem:v46+s4+$0x0], $0xffff;
	[tilespmem:s22+$0xFFFFFF10] =	vst v21  }
0x128: {  	s29 =	sadd.s32 $0xFA4, s25;
	v19 =	vld.idx.msk [tilespmem:v20+s4+$0x0], $0xffff;
	v20 =	vadd.s32 v3, v11;
	[tilespmem:s22+$0xFFFFFF20] =	vst v5  }
0x129: {  	v4 =	vmov s29;
	v48 =	vadd.s32 v3, v14;
	v7 =	vld.idx.msk [tilespmem:v7+s4+$0x0], $0xffff;
	[tilespmem:s22+$0xFFFFFF30] =	vst v6  }
0x12a: {  	v47 =	vadd.s32 v4, v15;
	v17 =	vld.idx.msk [tilespmem:v17+s4+$0x0], $0xffff;
	[tilespmem:s22+$0xFFFFFF40] =	vst v24  }
0x12b: {  	v26 =	vadd.s32 v3, v8;
	[tilespmem:s22+$0xFFFFFF50] =	vst v18;
	v6 =	vld.idx.msk [tilespmem:v16+s4+$0x0], $0xffff  }
0x12c: {  	v16 =	vadd.s32 v3, v9;
	[tilespmem:s22+$0xFFFFFF00] =	vst v22;
	v18 =	vld.idx.msk [tilespmem:v49+s4+$0x0], $0xffff  }
0x12d: {  	v20 =	vld.idx.msk [tilespmem:v20+s4+$0x0], $0xffff;
	[tilespmem:s22+$0xFFFFFFF0] =	vst v19;
	v19 =	vadd.s32 v4, v13  }
0x12e: {  	v51 =	vadd.s32 v4, v12;
	v52 =	vld.idx.msk [tilespmem:v48+s4+$0x0], $0xffff  }
0x12f: {  	s30 =	sadd.s32 $0x138D, s25;
	v54 =	vadd.s32 v4, v14;
	v50 =	vld.idx.msk [tilespmem:v47+s4+$0x0], $0xffff;
	[tilespmem:s22+$0xFFFFFF60] =	vst v7  }
0x130: {  	v55 =	vadd.s32 v4, v11;
	v5 =	vmov s30;
	v7 =	vld.idx.msk [tilespmem:v26+s4+$0x0], $0xffff;
	[tilespmem:s22+$0xFFFFFF90] =	vst v17  }
0x131: {  	v53 =	vadd.s32 v5, v15;
	v16 =	vld.idx.msk [tilespmem:v16+s4+$0x0], $0xffff;
	[tilespmem:s22+$0xFFFFFFA0] =	vst v6  }
0x132: {  	v17 =	vadd.s32 v4, v10;
	[tilespmem:s22+$0xFFFFFFC0] =	vst v18;
	v19 =	vld.idx.msk [tilespmem:v19+s4+$0x0], $0xffff  }
0x133: {  	v27 =	vadd.s32 v4, v8;
	v23 =	vld.idx.msk [tilespmem:v51+s4+$0x0], $0xffff;
	[tilespmem:s22+$0xFFFFFF80] =	vst v52  }
0x134: {  	v56 =	vadd.s32 v4, v9;
	[tilespmem:s22+$0xFFFFFFB0] =	vst v20;
	v20 =	vld.idx.msk [tilespmem:v54+s4+$0x0], $0xffff  }
0x135: {  	v57 =	vadd.s32 v5, v13;
	[tilespmem:s22+$0x70] =	vst v50;
	v18 =	vld.idx.msk [tilespmem:v55+s4+$0x0], $0xffff  }
0x136: {  	s31 =	sadd.s32 $0x1776, s25;
	v28 =	vadd.s32 v5, v12;
	v21 =	vld.idx.msk [tilespmem:v53+s4+$0x0], $0xffff;
	[tilespmem:s22+$0xFFFFFFD0] =	vst v7  }
0x137: {  	v59 =	vadd.s32 v5, v14;
	v6 =	vmov s31;
	v17 =	vld.idx.msk [tilespmem:v17+s4+$0x0], $0xffff;
	[tilespmem:s22+$0xFFFFFFE0] =	vst v16  }
0x138: {  	v58 =	vadd.s32 v6, v15;
	v16 =	vld.idx.msk [tilespmem:v27+s4+$0x0], $0xffff;
	[tilespmem:s22+$0x10] =	vst v19  }
0x139: {  	v60 =	vadd.s32 v5, v11;
	v19 =	vld.idx.msk [tilespmem:v56+s4+$0x0], $0xffff;
	[tilespmem:s22+$0x20] =	vst v23  }
0x13a: {  	v61 =	vadd.s32 v5, v10;
	v24 =	vld.idx.msk [tilespmem:v57+s4+$0x0], $0xffff;
	[tilespmem:s22+$0x0] =	vst v20  }
0x13b: {  	v62 =	vadd.s32 v5, v8;
	[tilespmem:s22+$0x30] =	vst v18;
	v18 =	vld.idx.msk [tilespmem:v28+s4+$0x0], $0xffff  }
0x13c: {  	v63 =	vadd.s32 v5, v9;
	[tilespmem:s22+$0xF0] =	vst v21;
	v30 =	vld.idx.msk [tilespmem:v59+s4+$0x0], $0xffff  }
0x13d: {  	v32 =	vadd.s32 v6, v13;
	v20 =	vld.idx.msk [tilespmem:v58+s4+$0x0], $0xffff;
	[tilespmem:s22+$0x40] =	vst v17  }
0x13e: {  	s25 =	sadd.s32 $0x1B5F, s25;
	v31 =	vadd.s32 v6, v14;
	v17 =	vld.idx.msk [tilespmem:v60+s4+$0x0], $0xffff;
	[tilespmem:s22+$0x50] =	vst v16  }
0x13f: {  	v33 =	vadd.s32 v6, v12;
	v7 =	vmov s25;
	v16 =	vld.idx.msk [tilespmem:v61+s4+$0x0], $0xffff;
	[tilespmem:s22+$0x60] =	vst v19  }
0x140: {  	v15 =	vadd.s32 v7, v15;
	v19 =	vld.idx.msk [tilespmem:v62+s4+$0x0], $0xffff;
	[tilespmem:s22+$0x90] =	vst v24  }
0x141: {  	v34 =	vadd.s32 v6, v11;
	v25 =	vld.idx.msk [tilespmem:v63+s4+$0x0], $0xffff;
	[tilespmem:s22+$0xA0] =	vst v18  }
0x142: {  	v37 =	vadd.s32 v6, v9;
	[tilespmem:s22+$0x80] =	vst v30;
	v18 =	vld.idx.msk [tilespmem:v32+s4+$0x0], $0xffff  }
0x143: {  	[tilespmem:s22+$0x170] =	vst v20;
	v20 =	vadd.s32 v6, v10;
	v36 =	vld.idx.msk [tilespmem:v31+s4+$0x0], $0xffff  }
0x144: {  	v13 =	vadd.s32 v7, v13;
	[tilespmem:s22+$0xB0] =	vst v17;
	v17 =	vld.idx.msk [tilespmem:v33+s4+$0x0], $0xffff  }
0x145: {  	v35 =	vld.idx.msk [tilespmem:v15+s4+$0x0], $0xffff;
	[tilespmem:s22+$0xC0] =	vst v16  }
0x146: {  	v16 =	vld.idx.msk [tilespmem:v34+s4+$0x0], $0xffff;
	[tilespmem:s22+$0xE0] =	vst v25  }
0x147: {  	v15 =	vadd.s32 v6, v8;
	[tilespmem:s22+$0xD0] =	vst v19;
	v38 =	vld.idx.msk [tilespmem:v37+s4+$0x0], $0xffff  }
0x148: {  	v14 =	vadd.s32 v7, v14;
	[tilespmem:s22+$0x110] =	vst v18;
	v19 =	vld.idx.msk [tilespmem:v20+s4+$0x0], $0xffff  }
0x149: {  	v12 =	vadd.s32 v7, v12;
	v18 =	vld.idx.msk [tilespmem:v13+s4+$0x0], $0xffff  }
0x14a: {  	[tilespmem:s22+$0x120] =	vst v17;
	v17 =	vld [tilespmem:s21+$0x30]  }
0x14b: {  	v13 =	vld [tilespmem:s21+$0xFFFFFFF0]  }
0x14c: {  	[tilespmem:s22+$0x100] =	vst v36;
	v20 =	vld.idx.msk [tilespmem:v15+s4+$0x0], $0xffff  }
0x14d: {  	v39 =	vld.idx.msk [tilespmem:v14+s4+$0x0], $0xffff  }
0x14e: {  	v11 =	vadd.s32 v7, v11;
	v40 =	vld.idx.msk [tilespmem:v12+s4+$0x0], $0xffff  }
0x14f: {  	v15 =	vld [tilespmem:s21+$0xFFFFFFD0]  }
0x150: {  	v10 =	vadd.s32 v7, v10;
	v14 =	vld [tilespmem:s21+$0xFFFFFFE0]  }
0x151: {  	v12 =	vld [tilespmem:s21+$0x0]  }
0x152: {  	v8 =	vadd.s32 v7, v8;
	[tilespmem:s22+$0x130] =	vst v16;
	v16 =	vld [tilespmem:s21+$0xFFFFFFC0]  }
0x153: {  	v42 =	vadd.s32 v7, v9;
	v41 =	vld.idx.msk [tilespmem:v11+s4+$0x0], $0xffff  }
0x154: {  	v11 =	vld [tilespmem:s21+$0x20];
	[tilespmem:s22+$0x140] =	vst v19;
	v43 =	vadd.s32 v0, v17  }
0x155: {  	v45 =	vadd.s32 v0, v13;
	v19 =	vld.idx.msk [tilespmem:v10+s4+$0x0], $0xffff  }
0x156: {  	v10 =	vld [tilespmem:s21+$0x10];
	v44 =	vadd.s32 v0, v15;
	[tilespmem:s22+$0x150] =	vst v20  }
0x157: {  	[tilespmem:s22+$0x160] =	vst v38;
	v20 =	vadd.s32 v0, v14;
	v9 =	vld.idx.msk [tilespmem:v8+s4+$0x0], $0xffff  }
0x158: {  	v29 =	vadd.s32 v0, v12;
	v8 =	vld.idx.msk [tilespmem:v42+s4+$0x0], $0xffff  }
0x159: {  	[tilespmem:s22+$0x1F0] =	vst v35;
	v50 =	vadd.s32 v0, v16;
	v47 =	vld.idx.msk [tilespmem:v43+s4+$0x0], $0xffff  }
0x15a: {  	[tilespmem:s22+$0x190] =	vst v18;
	v49 =	vadd.s32 v0, v11;
	v21 =	vld.idx.msk [tilespmem:v45+s4+$0x0], $0xffff  }
0x15b: {  	[tilespmem:s22+$0x180] =	vst v39;
	v46 =	vadd.s32 v0, v10;
	v48 =	vld.idx.msk [tilespmem:v44+s4+$0x0], $0xffff  }
0x15c: {  	[tilespmem:s22+$0x1A0] =	vst v40;
	v18 =	vld.idx.msk [tilespmem:v20+s4+$0x0], $0xffff;
	v20 =	vadd.s32 v1, v17  }
0x15d: {  	v53 =	vadd.s32 v1, v13;
	[tilespmem:s22+$0x1B0] =	vst v41;
	v52 =	vld.idx.msk [tilespmem:v29+s4+$0x0], $0xffff  }
0x15e: {  	s25 =	simm.s32 $0x1A040;
	v51 =	vadd.s32 v1, v15;
	[tilespmem:s22+$0x1C0] =	vst v19;
	v24 =	vld.idx.msk [tilespmem:v50+s4+$0x0], $0xffff  }
0x15f: {  	v19 =	vadd.s32 v1, v14;
	v27 =	vld.idx.msk [tilespmem:v49+s4+$0x0], $0xffff;
	[tilespmem:s25+$0xFFFFFE70] =	vst v47  }
0x160: {  	v54 =	vadd.s32 v1, v12;
	[tilespmem:s25+$0xFFFFFE30] =	vst v21;
	v23 =	vld.idx.msk [tilespmem:v46+s4+$0x0], $0xffff  }
0x161: {  	v57 =	vadd.s32 v1, v16;
	[tilespmem:s25+$0xFFFFFE10] =	vst v48;
	v20 =	vld.idx.msk [tilespmem:v20+s4+$0x0], $0xffff  }
0x162: {  	v55 =	vadd.s32 v1, v10;
	[tilespmem:s25+$0xFFFFFE20] =	vst v18;
	v29 =	vld.idx.msk [tilespmem:v53+s4+$0x0], $0xffff  }
0x163: {  	v56 =	vadd.s32 v2, v17;
	[tilespmem:s25+$0xFFFFFE40] =	vst v52;
	v18 =	vld.idx.msk [tilespmem:v51+s4+$0x0], $0xffff  }
0x164: {  	v58 =	vadd.s32 v1, v11;
	[tilespmem:s25+$0xFFFFFE00] =	vst v24;
	v19 =	vld.idx.msk [tilespmem:v19+s4+$0x0], $0xffff  }
0x165: {  	v59 =	vadd.s32 v2, v15;
	v26 =	vld.idx.msk [tilespmem:v54+s4+$0x0], $0xffff;
	[tilespmem:s25+$0xFFFFFE60] =	vst v27  }
0x166: {  	v60 =	vadd.s32 v2, v14;
	v25 =	vld.idx.msk [tilespmem:v57+s4+$0x0], $0xffff;
	[tilespmem:s25+$0xFFFFFE50] =	vst v23  }
0x167: {  	v61 =	vadd.s32 v2, v12;
	[tilespmem:s25+$0xFFFFFEF0] =	vst v20;
	v22 =	vld.idx.msk [tilespmem:v55+s4+$0x0], $0xffff  }
0x168: {  	v62 =	vadd.s32 v2, v16;
	[tilespmem:s25+$0xFFFFFEB0] =	vst v29;
	v21 =	vld.idx.msk [tilespmem:v56+s4+$0x0], $0xffff  }
0x169: {  	v20 =	vadd.s32 v2, v13;
	[tilespmem:s25+$0xFFFFFE90] =	vst v18;
	v18 =	vld.idx.msk [tilespmem:v58+s4+$0x0], $0xffff  }
0x16a: {  	[tilespmem:s25+$0xFFFFFEA0] =	vst v19;
	v19 =	vadd.s32 v3, v17;
	v23 =	vld.idx.msk [tilespmem:v59+s4+$0x0], $0xffff  }
0x16b: {  	v63 =	vadd.s32 v2, v10;
	[tilespmem:s25+$0xFFFFFEC0] =	vst v26;
	v27 =	vld.idx.msk [tilespmem:v60+s4+$0x0], $0xffff  }
0x16c: {  	v32 =	vadd.s32 v2, v11;
	[tilespmem:s25+$0xFFFFFE80] =	vst v25;
	v24 =	vld.idx.msk [tilespmem:v61+s4+$0x0], $0xffff  }
0x16d: {  	v33 =	vadd.s32 v3, v15;
	v28 =	vld.idx.msk [tilespmem:v62+s4+$0x0], $0xffff;
	[tilespmem:s25+$0xFFFFFED0] =	vst v22  }
0x16e: {  	v34 =	vadd.s32 v3, v14;
	v20 =	vld.idx.msk [tilespmem:v20+s4+$0x0], $0xffff;
	[tilespmem:s25+$0xFFFFFF70] =	vst v21  }
0x16f: {  	v37 =	vadd.s32 v3, v16;
	[tilespmem:s25+$0xFFFFFEE0] =	vst v18;
	v19 =	vld.idx.msk [tilespmem:v19+s4+$0x0], $0xffff  }
0x170: {  	v35 =	vadd.s32 v3, v13;
	[tilespmem:s25+$0xFFFFFF10] =	vst v23;
	v18 =	vld.idx.msk [tilespmem:v63+s4+$0x0], $0xffff  }
0x171: {  	v38 =	vadd.s32 v3, v12;
	[tilespmem:s25+$0xFFFFFF20] =	vst v27;
	v26 =	vld.idx.msk [tilespmem:v32+s4+$0x0], $0xffff  }
0x172: {  	v36 =	vadd.s32 v4, v17;
	[tilespmem:s25+$0xFFFFFF40] =	vst v24;
	v22 =	vld.idx.msk [tilespmem:v33+s4+$0x0], $0xffff  }
0x173: {  	v39 =	vadd.s32 v3, v11;
	[tilespmem:s25+$0xFFFFFF00] =	vst v28;
	v21 =	vld.idx.msk [tilespmem:v34+s4+$0x0], $0xffff  }
0x174: {  	v40 =	vadd.s32 v4, v14;
	v29 =	vld.idx.msk [tilespmem:v37+s4+$0x0], $0xffff;
	[tilespmem:s25+$0xFFFFFF30] =	vst v20  }
0x175: {  	v42 =	vadd.s32 v4, v16;
	v25 =	vld.idx.msk [tilespmem:v35+s4+$0x0], $0xffff;
	[tilespmem:s25+$0xFFFFFFF0] =	vst v19  }
0x176: {  	v20 =	vadd.s32 v3, v10;
	[tilespmem:s25+$0xFFFFFF50] =	vst v18;
	v18 =	vld.idx.msk [tilespmem:v38+s4+$0x0], $0xffff  }
0x177: {  	v19 =	vadd.s32 v4, v15;
	[tilespmem:s25+$0xFFFFFF60] =	vst v26;
	v23 =	vld.idx.msk [tilespmem:v36+s4+$0x0], $0xffff  }
0x178: {  	v43 =	vadd.s32 v4, v13;
	[tilespmem:s25+$0xFFFFFFA0] =	vst v21;
	v44 =	vld.idx.msk [tilespmem:v39+s4+$0x0], $0xffff  }
0x179: {  	v45 =	vadd.s32 v4, v12;
	[tilespmem:s25+$0xFFFFFF80] =	vst v29;
	v28 =	vld.idx.msk [tilespmem:v40+s4+$0x0], $0xffff  }
0x17a: {  	v41 =	vadd.s32 v5, v17;
	[tilespmem:s25+$0xFFFFFF90] =	vst v22;
	v27 =	vld.idx.msk [tilespmem:v42+s4+$0x0], $0xffff  }
0x17b: {  	v47 =	vadd.s32 v4, v11;
	v20 =	vld.idx.msk [tilespmem:v20+s4+$0x0], $0xffff;
	[tilespmem:s25+$0xFFFFFFB0] =	vst v25  }
0x17c: {  	v49 =	vadd.s32 v5, v16;
	v19 =	vld.idx.msk [tilespmem:v19+s4+$0x0], $0xffff;
	[tilespmem:s25+$0xFFFFFFC0] =	vst v18  }
0x17d: {  	v46 =	vadd.s32 v4, v10;
	v18 =	vld.idx.msk [tilespmem:v43+s4+$0x0], $0xffff;
	[tilespmem:s25+$0x70] =	vst v23  }
0x17e: {  	v50 =	vadd.s32 v5, v14;
	v24 =	vld.idx.msk [tilespmem:v45+s4+$0x0], $0xffff;
	[tilespmem:s25+$0xFFFFFFE0] =	vst v44  }
0x17f: {  	v48 =	vadd.s32 v5, v15;
	v26 =	vld.idx.msk [tilespmem:v41+s4+$0x0], $0xffff;
	[tilespmem:s25+$0x20] =	vst v28  }
0x180: {  	v51 =	vadd.s32 v5, v13;
	v23 =	vld.idx.msk [tilespmem:v47+s4+$0x0], $0xffff;
	[tilespmem:s25+$0x0] =	vst v27  }
0x181: {  	[tilespmem:s25+$0xFFFFFFD0] =	vst v20;
	v20 =	vadd.s32 v6, v17;
	v22 =	vld.idx.msk [tilespmem:v49+s4+$0x0], $0xffff  }
0x182: {  	v52 =	vadd.s32 v5, v12;
	[tilespmem:s25+$0x10] =	vst v19;
	v19 =	vld.idx.msk [tilespmem:v46+s4+$0x0], $0xffff  }
0x183: {  	v54 =	vadd.s32 v5, v11;
	[tilespmem:s25+$0x30] =	vst v18;
	v18 =	vld.idx.msk [tilespmem:v50+s4+$0x0], $0xffff  }
0x184: {  	v55 =	vadd.s32 v6, v16;
	v29 =	vld.idx.msk [tilespmem:v48+s4+$0x0], $0xffff;
	[tilespmem:s25+$0x40] =	vst v24  }
0x185: {  	v53 =	vadd.s32 v5, v10;
	v56 =	vld.idx.msk [tilespmem:v51+s4+$0x0], $0xffff;
	[tilespmem:s25+$0xF0] =	vst v26  }
0x186: {  	v58 =	vadd.s32 v6, v14;
	[tilespmem:s25+$0x60] =	vst v23;
	v20 =	vld.idx.msk [tilespmem:v20+s4+$0x0], $0xffff  }
0x187: {  	v17 =	vadd.s32 v7, v17;
	v57 =	vld.idx.msk [tilespmem:v52+s4+$0x0], $0xffff;
	[tilespmem:s25+$0x80] =	vst v22  }
0x188: {  	v59 =	vadd.s32 v6, v13;
	v27 =	vld.idx.msk [tilespmem:v54+s4+$0x0], $0xffff;
	[tilespmem:s25+$0x50] =	vst v19  }
0x189: {  	v21 =	vld.idx.msk [tilespmem:v55+s4+$0x0], $0xffff;
	v19 =	vadd.s32 v6, v15;
	[tilespmem:s25+$0xA0] =	vst v18  }
0x18a: {  	v18 =	vadd.s32 v6, v11;
	[tilespmem:s25+$0x90] =	vst v29;
	v26 =	vld.idx.msk [tilespmem:v53+s4+$0x0], $0xffff  }
0x18b: {  	v23 =	vld.idx.msk [tilespmem:v58+s4+$0x0], $0xffff;
	[tilespmem:s25+$0x170] =	vst v20;
	v20 =	vadd.s32 v6, v12  }
0x18c: {  	v60 =	vadd.s32 v6, v10;
	[tilespmem:s25+$0xB0] =	vst v56;
	v17 =	vld.idx.msk [tilespmem:v17+s4+$0x0], $0xffff  }
0x18d: {  	v61 =	vadd.s32 v7, v16;
	[tilespmem:s25+$0xC0] =	vst v57;
	v62 =	vld.idx.msk [tilespmem:v59+s4+$0x0], $0xffff  }
0x18e: {  	v63 =	vadd.s32 v7, v14;
	[tilespmem:s25+$0xE0] =	vst v27;
	v19 =	vld.idx.msk [tilespmem:v19+s4+$0x0], $0xffff  }
0x18f: {  	v15 =	vadd.s32 v7, v15;
	[tilespmem:s25+$0x100] =	vst v21;
	v16 =	vld.idx.msk [tilespmem:v18+s4+$0x0], $0xffff  }
0x190: {  	v13 =	vadd.s32 v7, v13;
	[tilespmem:s25+$0xD0] =	vst v26;
	v20 =	vld.idx.msk [tilespmem:v20+s4+$0x0], $0xffff  }
0x191: {  	v22 =	vld.idx.msk [tilespmem:v60+s4+$0x0], $0xffff;
	[tilespmem:s25+$0x1F0] =	vst v17;
	v17 =	vadd.s32 v7, v12  }
0x192: {  	v14 =	vld.idx.msk [tilespmem:v61+s4+$0x0], $0xffff;
	[tilespmem:s25+$0x120] =	vst v23  }
0x193: {  	v18 =	vld.idx.msk [tilespmem:v63+s4+$0x0], $0xffff;
	[tilespmem:s25+$0x110] =	vst v19  }
0x194: {  	[tilespmem:s25+$0x130] =	vst v62;
	v15 =	vld.idx.msk [tilespmem:v15+s4+$0x0], $0xffff  }
0x195: {  	v13 =	vld.idx.msk [tilespmem:v13+s4+$0x0], $0xffff;
	[tilespmem:s25+$0x140] =	vst v20  }
0x196: {  	s26 =	simm.s32 $0x8;
	s21 =	sadd.s32 $0x400, s21;
	v11 =	vadd.s32 v7, v11;
	v12 =	vadd.s32 v7, v10;
	[tilespmem:s25+$0x150] =	vst v22;
	v17 =	vld.idx.msk [tilespmem:v17+s4+$0x0], $0xffff  }
.LBB2_5:
0x197: {  	v10 =	vld [tilespmem:s21+$0x30];
	s26 =	sadd.s32 $0x8, s26;
	[tilespmem:s25+$0x160] =	vst v16  }
0x198: {  	v21 =	vld [tilespmem:s21+$0xFFFFFFD0];
	p0 =	slt.u32 s26, $0x38;
	[tilespmem:s25+$0x180] =	vst v14  }
0x199: {  	v25 =	vld [tilespmem:s21+$0xFFFFFFE0];
	[tilespmem:s25+$0x190] =	vst v15  }
0x19a: {  	v26 =	vld [tilespmem:s21+$0xFFFFFFF0];
	[tilespmem:s25+$0x1A0] =	vst v18  }
0x19b: {  	v27 =	vld [tilespmem:s21+$0x0];
	[tilespmem:s25+$0x1B0] =	vst v13  }
0x19c: {  	v28 =	vld [tilespmem:s21+$0x10];
	v13 =	vadd.s32 v0, v10;
	[tilespmem:s25+$0x1C0] =	vst v17  }
0x19d: {  	v14 =	vadd.s32 v0, v21;
	v15 =	vadd.s32 v1, v21;
	v17 =	vadd.s32 v2, v21;
	v29 =	vld [tilespmem:s21+$0x20];
	[tilespmem:s22+$0x1D0] =	vst v9  }
0x19e: {  	v20 =	vld [tilespmem:s21+$0xFFFFFFC0];
	v16 =	vadd.s32 v0, v25;
	v18 =	vadd.s32 v1, v25;
	v30 =	vadd.s32 v2, v25;
	[tilespmem:s22+$0x1E0] =	vst v8;
	s22 =	smov.u32 s25  }
0x19f: {  	v19 =	vadd.s32 v0, v26;
	v22 =	vadd.s32 v1, v26;
	v31 =	vadd.s32 v2, v26;
	v9 =	vld.idx.msk [tilespmem:v12+s4+$0x0], $0xffff  }
0x1a0: {  	v12 =	vadd.s32 v0, v27;
	v23 =	vadd.s32 v1, v27;
	v32 =	vadd.s32 v2, v27;
	v8 =	vld.idx.msk [tilespmem:v11+s4+$0x0], $0xffff  }
0x1a1: {  	v11 =	vadd.s32 v0, v28;
	v24 =	vadd.s32 v1, v28;
	v33 =	vadd.s32 v2, v28;
	v13 =	vld.idx.msk [tilespmem:v13+s4+$0x0], $0xffff  }
0x1a2: {  	v14 =	vld.idx.msk [tilespmem:v14+s4+$0x0], $0xffff;
	v34 =	vadd.s32 v0, v29;
	v35 =	vadd.s32 v1, v29;
	v36 =	vadd.s32 v2, v29  }
0x1a3: {  	v39 =	vadd.s32 v1, v10;
	v37 =	vadd.s32 v0, v20;
	v38 =	vadd.s32 v1, v20;
	v16 =	vld.idx.msk [tilespmem:v16+s4+$0x0], $0xffff  }
0x1a4: {  	v42 =	vadd.s32 v3, v21;
	v40 =	vadd.s32 v2, v20;
	v41 =	vadd.s32 v3, v20;
	v19 =	vld.idx.msk [tilespmem:v19+s4+$0x0], $0xffff  }
0x1a5: {  	v43 =	vadd.s32 v3, v25;
	v44 =	vadd.s32 v3, v26;
	v45 =	vadd.s32 v3, v27;
	v12 =	vld.idx.msk [tilespmem:v12+s4+$0x0], $0xffff  }
0x1a6: {  	s25 =	sadd.s32 $0x400, s25;
	v47 =	vadd.s32 v3, v28;
	v48 =	vadd.s32 v3, v29;
	v46 =	vadd.s32 v4, v20;
	v11 =	vld.idx.msk [tilespmem:v11+s4+$0x0], $0xffff  }
0x1a7: {  	v49 =	vadd.s32 v4, v21;
	v50 =	vadd.s32 v4, v25;
	v34 =	vld.idx.msk [tilespmem:v34+s4+$0x0], $0xffff;
	[tilespmem:s25+$0xFFFFFE70] =	vst v13  }
0x1a8: {  	v51 =	vadd.s32 v4, v26;
	v52 =	vadd.s32 v4, v27;
	[tilespmem:s25+$0xFFFFFE10] =	vst v14;
	v13 =	vld.idx.msk [tilespmem:v39+s4+$0x0], $0xffff  }
0x1a9: {  	v53 =	vadd.s32 v4, v29;
	v39 =	vadd.s32 v4, v28;
	v37 =	vld.idx.msk [tilespmem:v37+s4+$0x0], $0xffff;
	[tilespmem:s25+$0xFFFFFE20] =	vst v16  }
0x1aa: {  	v54 =	vadd.s32 v5, v20;
	v15 =	vld.idx.msk [tilespmem:v15+s4+$0x0], $0xffff;
	[tilespmem:s25+$0xFFFFFE30] =	vst v19;
	v19 =	vadd.s32 v2, v10  }
0x1ab: {  	v55 =	vadd.s32 v5, v21;
	v57 =	vadd.s32 v5, v25;
	v56 =	vld.idx.msk [tilespmem:v18+s4+$0x0], $0xffff;
	[tilespmem:s25+$0xFFFFFE40] =	vst v12  }
0x1ac: {  	v58 =	vadd.s32 v5, v26;
	v59 =	vadd.s32 v5, v27;
	v12 =	vld.idx.msk [tilespmem:v22+s4+$0x0], $0xffff;
	[tilespmem:s25+$0xFFFFFE50] =	vst v11  }
0x1ad: {  	v60 =	vadd.s32 v5, v28;
	v11 =	vld.idx.msk [tilespmem:v23+s4+$0x0], $0xffff;
	[tilespmem:s25+$0xFFFFFE60] =	vst v34;
	v34 =	vadd.s32 v5, v29  }
0x1ae: {  	v14 =	vadd.s32 v6, v21;
	v22 =	vadd.s32 v6, v20;
	v61 =	vld.idx.msk [tilespmem:v24+s4+$0x0], $0xffff;
	[tilespmem:s25+$0xFFFFFEF0] =	vst v13  }
0x1af: {  	v16 =	vadd.s32 v6, v26;
	v23 =	vadd.s32 v6, v25;
	[tilespmem:s25+$0xFFFFFE00] =	vst v37;
	v37 =	vld.idx.msk [tilespmem:v19+s4+$0x0], $0xffff  }
0x1b0: {  	v18 =	vadd.s32 v6, v28;
	v24 =	vadd.s32 v6, v27;
	v38 =	vld.idx.msk [tilespmem:v38+s4+$0x0], $0xffff;
	[tilespmem:s25+$0xFFFFFE90] =	vst v15  }
0x1b1: {  	v19 =	vadd.s32 v6, v29;
	[tilespmem:s25+$0xFFFFFEA0] =	vst v56;
	v35 =	vld.idx.msk [tilespmem:v35+s4+$0x0], $0xffff;
	v56 =	vadd.s32 v3, v10  }
0x1b2: {  	v20 =	vadd.s32 v7, v20;
	v15 =	vadd.s32 v7, v21;
	v62 =	vld.idx.msk [tilespmem:v17+s4+$0x0], $0xffff;
	[tilespmem:s25+$0xFFFFFEB0] =	vst v12  }
0x1b3: {  	v13 =	vadd.s32 v7, v26;
	v21 =	vadd.s32 v7, v25;
	v30 =	vld.idx.msk [tilespmem:v30+s4+$0x0], $0xffff;
	[tilespmem:s25+$0xFFFFFEC0] =	vst v11  }
0x1b4: {  	v17 =	vadd.s32 v7, v27;
	v12 =	vadd.s32 v7, v28;
	v25 =	vld.idx.msk [tilespmem:v31+s4+$0x0], $0xffff;
	[tilespmem:s25+$0xFFFFFED0] =	vst v61  }
0x1b5: {  	v11 =	vadd.s32 v7, v29;
	v26 =	vld.idx.msk [tilespmem:v32+s4+$0x0], $0xffff;
	[tilespmem:s25+$0xFFFFFF70] =	vst v37  }
0x1b6: {  	[tilespmem:s25+$0xFFFFFE80] =	vst v38;
	v27 =	vld.idx.msk [tilespmem:v56+s4+$0x0], $0xffff  }
0x1b7: {  	v28 =	vld.idx.msk [tilespmem:v40+s4+$0x0], $0xffff;
	[tilespmem:s25+$0xFFFFFEE0] =	vst v35  }
0x1b8: {  	v31 =	vadd.s32 v4, v10;
	[tilespmem:s25+$0xFFFFFF10] =	vst v62;
	v29 =	vld.idx.msk [tilespmem:v33+s4+$0x0], $0xffff  }
0x1b9: {  	[tilespmem:s25+$0xFFFFFF20] =	vst v30;
	v30 =	vld.idx.msk [tilespmem:v36+s4+$0x0], $0xffff  }
0x1ba: {  	v32 =	vld.idx.msk [tilespmem:v42+s4+$0x0], $0xffff;
	[tilespmem:s25+$0xFFFFFF30] =	vst v25  }
0x1bb: {  	v25 =	vld.idx.msk [tilespmem:v43+s4+$0x0], $0xffff;
	[tilespmem:s25+$0xFFFFFF40] =	vst v26  }
0x1bc: {  	v26 =	vld.idx.msk [tilespmem:v44+s4+$0x0], $0xffff;
	[tilespmem:s25+$0xFFFFFFF0] =	vst v27  }
0x1bd: {  	[tilespmem:s25+$0xFFFFFF00] =	vst v28;
	v27 =	vld.idx.msk [tilespmem:v31+s4+$0x0], $0xffff  }
0x1be: {  	v28 =	vld.idx.msk [tilespmem:v41+s4+$0x0], $0xffff;
	[tilespmem:s25+$0xFFFFFF50] =	vst v29  }
0x1bf: {  	v29 =	vld.idx.msk [tilespmem:v45+s4+$0x0], $0xffff;
	[tilespmem:s25+$0xFFFFFF60] =	vst v30;
	v30 =	vadd.s32 v5, v10  }
0x1c0: {  	[tilespmem:s25+$0xFFFFFF90] =	vst v32;
	v31 =	vld.idx.msk [tilespmem:v47+s4+$0x0], $0xffff  }
0x1c1: {  	[tilespmem:s25+$0xFFFFFFA0] =	vst v25;
	v25 =	vld.idx.msk [tilespmem:v48+s4+$0x0], $0xffff  }
0x1c2: {  	v32 =	vld.idx.msk [tilespmem:v49+s4+$0x0], $0xffff;
	[tilespmem:s25+$0xFFFFFFB0] =	vst v26  }
0x1c3: {  	v26 =	vld.idx.msk [tilespmem:v50+s4+$0x0], $0xffff;
	[tilespmem:s25+$0x70] =	vst v27  }
0x1c4: {  	[tilespmem:s25+$0xFFFFFF80] =	vst v28;
	v27 =	vld.idx.msk [tilespmem:v30+s4+$0x0], $0xffff  }
0x1c5: {  	v28 =	vld.idx.msk [tilespmem:v46+s4+$0x0], $0xffff;
	[tilespmem:s25+$0xFFFFFFC0] =	vst v29  }
0x1c6: {  	v30 =	vadd.s32 v6, v10;
	v29 =	vld.idx.msk [tilespmem:v51+s4+$0x0], $0xffff;
	[tilespmem:s25+$0xFFFFFFD0] =	vst v31  }
0x1c7: {  	v31 =	vld.idx.msk [tilespmem:v52+s4+$0x0], $0xffff;
	[tilespmem:s25+$0xFFFFFFE0] =	vst v25  }
0x1c8: {  	[tilespmem:s25+$0x10] =	vst v32;
	v25 =	vld.idx.msk [tilespmem:v39+s4+$0x0], $0xffff  }
0x1c9: {  	[tilespmem:s25+$0x20] =	vst v26;
	v26 =	vld.idx.msk [tilespmem:v53+s4+$0x0], $0xffff  }
0x1ca: {  	v32 =	vld.idx.msk [tilespmem:v55+s4+$0x0], $0xffff;
	[tilespmem:s25+$0xF0] =	vst v27  }
0x1cb: {  	[tilespmem:s25+$0x0] =	vst v28;
	v27 =	vld.idx.msk [tilespmem:v30+s4+$0x0], $0xffff  }
0x1cc: {  	v28 =	vld.idx.msk [tilespmem:v54+s4+$0x0], $0xffff;
	[tilespmem:s25+$0x30] =	vst v29  }
0x1cd: {  	v10 =	vadd.s32 v7, v10;
	v29 =	vld.idx.msk [tilespmem:v57+s4+$0x0], $0xffff;
	[tilespmem:s25+$0x40] =	vst v31  }
0x1ce: {  	v30 =	vld.idx.msk [tilespmem:v58+s4+$0x0], $0xffff;
	[tilespmem:s25+$0x50] =	vst v25  }
0x1cf: {  	v25 =	vld.idx.msk [tilespmem:v59+s4+$0x0], $0xffff;
	[tilespmem:s25+$0x60] =	vst v26  }
0x1d0: {  	[tilespmem:s25+$0x90] =	vst v32;
	v26 =	vld.idx.msk [tilespmem:v60+s4+$0x0], $0xffff  }
0x1d1: {  	v31 =	vld.idx.msk [tilespmem:v34+s4+$0x0], $0xffff;
	[tilespmem:s25+$0x170] =	vst v27  }
0x1d2: {  	[tilespmem:s25+$0x80] =	vst v28;
	v10 =	vld.idx.msk [tilespmem:v10+s4+$0x0], $0xffff  }
0x1d3: {  	v22 =	vld.idx.msk [tilespmem:v22+s4+$0x0], $0xffff;
	[tilespmem:s25+$0xA0] =	vst v29  }
0x1d4: {  	v27 =	vld.idx.msk [tilespmem:v14+s4+$0x0], $0xffff;
	[tilespmem:s25+$0xB0] =	vst v30  }
0x1d5: {  	v23 =	vld.idx.msk [tilespmem:v23+s4+$0x0], $0xffff;
	[tilespmem:s25+$0xC0] =	vst v25  }
0x1d6: {  	v25 =	vld.idx.msk [tilespmem:v16+s4+$0x0], $0xffff;
	[tilespmem:s25+$0xD0] =	vst v26  }
0x1d7: {  	v24 =	vld.idx.msk [tilespmem:v24+s4+$0x0], $0xffff;
	[tilespmem:s25+$0xE0] =	vst v31  }
0x1d8: {  	v26 =	vld.idx.msk [tilespmem:v18+s4+$0x0], $0xffff;
	[tilespmem:s25+$0x1F0] =	vst v10  }
0x1d9: {  	[tilespmem:s25+$0x100] =	vst v22;
	v16 =	vld.idx.msk [tilespmem:v19+s4+$0x0], $0xffff  }
.Ltmp1:
0x1da: {  	v14 =	vld.idx.msk [tilespmem:v20+s4+$0x0], $0xffff;
	[tilespmem:s25+$0x110] =	vst v27;
	(pc) =	sbr.rel @p0 .LBB2_5-.Ltmp1, $4  }
0x1db: {  	v15 =	vld.idx.msk [tilespmem:v15+s4+$0x0], $0xffff;
	[tilespmem:s25+$0x120] =	vst v23  }
0x1dc: {  	v18 =	vld.idx.msk [tilespmem:v21+s4+$0x0], $0xffff;
	[tilespmem:s25+$0x130] =	vst v25  }
0x1dd: {  	v13 =	vld.idx.msk [tilespmem:v13+s4+$0x0], $0xffff;
	[tilespmem:s25+$0x140] =	vst v24  }
0x1de: {  	s21 =	sadd.s32 $0x400, s21;
	v17 =	vld.idx.msk [tilespmem:v17+s4+$0x0], $0xffff;
	[tilespmem:s25+$0x150] =	vst v26  }
0x1df: {  	_ = 	snop  }
0x1e0: {  	[tilespmem:s25+$0x160] =	vst v16  }
0x1e1: {  	[tilespmem:s25+$0x180] =	vst v14  }
0x1e2: {  	[tilespmem:s22+$0x1D0] =	vst v9  }
0x1e3: {  	v0 =	vld.idx.msk [tilespmem:v12+s4+$0x0], $0xffff;
	[tilespmem:s22+$0x1E0] =	vst v8  }
0x1e4: {  	s20 =	sadd.s32 $0x1, s20;
	[tilespmem:s25+$0x190] =	vst v15;
	v1 =	vld.idx.msk [tilespmem:v11+s4+$0x0], $0xffff  }
0x1e5: {  	s21 =	sshll.u32 s23, $0xF;
	p0 =	sne.s32 s20, $0x64;
	[tilespmem:s25+$0x1A0] =	vst v18  }
.Ltmp2:
0x1e6: {  	s21 =	sor.u32 s24, s21;
	[tilespmem:s25+$0x1B0] =	vst v13;
	(pc) =	sbr.rel @p0 .LBB2_2-.Ltmp2, $4  }
0x1e7: {  	s21 =	sor.u32 s5, s21;
	[tilespmem:s25+$0x1C0] =	vst v17  }
0x1e8: {  	s21 =	sshrl.u32 s21, $0x3;
	[tilespmem:s25+$0x1D0] =	vst v0  }
0x1e9: {  	s21 =	sadd.s32 s2, s21;
	[tilespmem:s25+$0x1E0] =	vst v1  }
0x1ea: {  	[hbm4b:s21+s4] =	stream.linear.scatter [tilespmem:s16], [sflag:$0x2], $0x2000, $0x38;
	[tilespmem:$0x1BA40] =	vst v63  }
0x1eb: {  	s19 =	sadd.s32 $0x1, s19  }
0x1ec: {  	_ =	swait.ge [sflag:s17], $0x2000;
	p0 =	sne.s32 s19, s8  }
.Ltmp3:
0x1ed: {  	[sflag:s17] =	ssyncset.done $0x0;
	(pc) =	sbr.rel @p0 .LBB2_1-.Ltmp3, $4  }
0x1ee: {  	[sflag:s17] =	ssyncadd.s32 $0xFFFFE000  }
0x1ef: {  	_ =	swait.ge [sflag:s18], $0x2000  }
0x1f0: {  	[sflag:s18] =	ssyncset.done $0x0  }
0x1f1: {  	[sflag:s18] =	ssyncadd.s32 $0xFFFFE000  }
0x1f2: {  	_ =	sfence.sel $0x180000  }
0x1f3: {  	[bflag:$0x0] =	sbarrier.arrive $0xFFFF  }
0x1f4: {  	p0 =	sne.s32 s1, $0x0;
	_ =	strace $0x90000047  }
0x1f5: {  	s0 =	sadd.s32 @!p0 $0x100000, s0;
	[bflag:$0x2] =	sbarrier.arrive $0xFFFF  }
0x1f6: {  	[sflag:s0] =	ssyncadd.tile.s32 @!p0 $0x1;
	_ =	shalt  }
.Lfunc_end2:
_tile_overlayer_lowered:
.L_overlay_start_2:
0x1f7: {  	(tag) =	ssettag $0x2  }
0x1f8: {  	s0 =	rddreg [dreg:$0x0];
	s2 =	stileid.u32  }
0x1f9: {  	s1 =	rddreg [dreg:$0x1];
	p0 =	sne.s32 s2, $0x0  }
0x1fa: {  	s3 =	rddreg [dreg:$0x2];
	[bflag:$0x3] =	sbarrier.arrive $0xFFFF;
	s2 =	simm.s32 @!p0 $0x1C03  }
0x1fb: {  	[timem:s3], [sflag:s2] =	dma.local @!p0 [hbm:s0], s1  }
0x1fc: {  	s0 =	simm.s32 @!p0 $0x3  }
0x1fd: {  	_ =	swait.ge @!p0 [sflag:s0], s1  }
0x1fe: {  	s1 =	ssub.s32 @!p0 $0x0, s1;
	[sflag:s0] =	ssyncset.done @!p0 $0x0  }
0x1ff: {  	[sflag:s0] =	ssyncadd.s32 @!p0 s1  }
0x200: {  	[bflag:$0x3] =	sbarrier.arrive $0xFFFF  }
0x201: {  	_ =	shalt  }

</sc_bundles>
